<compile_context>
chip_gen: v7x
topology: tpu7x:2x2x1
jax: 0.10.2.dev20260603
libtpu: 0.0.44.dev20260713+nightly
codegen_flags: <defaults>
</compile_context>

<pallas_src>
import functools

import jax
import jax.numpy as jnp
from jax import lax
from jax.experimental import pallas as pl
from jax.experimental.pallas import tpu as pltpu
from jax.experimental.pallas import tpu_sc as plsc

_NC = 2
_NS = 16
_NW = _NC * _NS
_LANES = 16

_TABLE_DIMS = ((128, 32), (64, 64), (32, 128), (16, 256), (16, 64))


@functools.lru_cache(maxsize=None)
def _make_gather(B):
    BPW = B // _NW
    CH = 128
    NCH = BPW // CH
    NG = BPW // _LANES

    mesh = plsc.VectorSubcoreMesh(core_axis_name="c", subcore_axis_name="s")

    out_type = [jax.ShapeDtypeStruct((B, d), jnp.float32)
                for (_, d) in _TABLE_DIMS]
    scratch_types = [
        pltpu.VMEM((BPW * 4,), jnp.float32),
        pltpu.VMEM((BPW,), jnp.int32),
        pltpu.VMEM((BPW,), jnp.int32),
        pltpu.VMEM((BPW,), jnp.int32),
        pltpu.VMEM((BPW,), jnp.int32),
        pltpu.VMEM((BPW,), jnp.int32),
        pltpu.VMEM((CH, 32), jnp.float32),
        pltpu.VMEM((CH, 64), jnp.float32),
        pltpu.VMEM((CH, 128), jnp.float32),
        pltpu.VMEM((CH, 256), jnp.float32),
        pltpu.VMEM((CH, 64), jnp.float32),
        pltpu.SemaphoreType.DMA,
    ]

    @functools.partial(
        pl.kernel, mesh=mesh, out_type=out_type, scratch_types=scratch_types,
        compiler_params=pltpu.CompilerParams(use_tc_tiling_on_sc=False))
    def gather_kernel(xyzt_hbm, t0, t1, t2, t3, t4,
                      o0, o1, o2, o3, o4,
                      coords, i0, i1, i2, i3, i4,
                      b0, b1, b2, b3, b4, sem):
        wid = lax.axis_index("s") * _NC + lax.axis_index("c")
        base = wid * BPW
        for c in range(4):
            pltpu.sync_copy(xyzt_hbm.at[pl.ds(c * B + base, BPW)],
                            coords.at[pl.ds(c * BPW, BPW)])

        def body(g, carry):
            off = pl.multiple_of(g * _LANES, _LANES)
            x = coords[pl.ds(off, _LANES)]
            y = coords[pl.ds(BPW + off, _LANES)]
            z = coords[pl.ds(2 * BPW + off, _LANES)]
            t = coords[pl.ds(3 * BPW + off, _LANES)]
            ix = jnp.clip((x * 128.0).astype(jnp.int32), 0, 127)
            iy = jnp.clip((y * 128.0).astype(jnp.int32), 0, 127)
            iz = jnp.clip((z * 128.0).astype(jnp.int32), 0, 127)
            it = jnp.clip((t * 64.0).astype(jnp.int32), 0, 63)
            idx0 = (ix * 128 + iy) * 128 + iz
            idx1 = ((ix >> 1) * 64 + (iy >> 1)) * 64 + (iz >> 1)
            idx2 = ((ix >> 2) * 32 + (iy >> 2)) * 32 + (iz >> 2)
            idx3 = ((ix >> 3) * 16 + (iy >> 3)) * 16 + (iz >> 3)
            idx4 = idx3 * 64 + it
            sl = pl.ds(pl.multiple_of(g * _LANES, _LANES), _LANES)
            i0[sl] = idx0
            i1[sl] = idx1
            i2[sl] = idx2
            i3[sl] = idx3
            i4[sl] = idx4
            return carry

        lax.fori_loop(0, NG, body, 0)

        for tbl, idx, buf, out in ((t0, i0, b0, o0), (t1, i1, b1, o1),
                                   (t2, i2, b2, o2), (t3, i3, b3, o3),
                                   (t4, i4, b4, o4)):
            for j in range(NCH):
                isl = idx.at[pl.ds(j * CH, CH)]
                pltpu.async_copy(tbl.at[isl], buf, sem).wait()
                pltpu.sync_copy(buf, out.at[pl.ds(base + j * CH, CH)])

    return gather_kernel


def _matmul_body(f0, f1, f2, f3, f4, w0, w1, w2, w3, w4, b, out):
    acc = jnp.dot(f0[...], w0[...], preferred_element_type=jnp.float32)
    acc += jnp.dot(f1[...], w1[...], preferred_element_type=jnp.float32)
    acc += jnp.dot(f2[...], w2[...], preferred_element_type=jnp.float32)
    acc += jnp.dot(f3[...], w3[...], preferred_element_type=jnp.float32)
    acc += jnp.dot(f4[...], w4[...], preferred_element_type=jnp.float32)
    out[...] = acc + b[...]


@functools.lru_cache(maxsize=None)
def _make_matmul(B, BM=1024):
    grid = (B // BM,)
    fspec = lambda d: pl.BlockSpec((BM, d), lambda i: (i, 0))
    wspec = lambda d: pl.BlockSpec((d, 4), lambda i: (0, 0))
    return pl.pallas_call(
        _matmul_body,
        grid=grid,
        in_specs=[fspec(d) for (_, d) in _TABLE_DIMS]
        + [wspec(d) for (_, d) in _TABLE_DIMS]
        + [pl.BlockSpec((1, 4), lambda i: (0, 0))],
        out_specs=pl.BlockSpec((BM, 4), lambda i: (i, 0)),
        out_shape=jax.ShapeDtypeStruct((B, 4), jnp.float32),
    )


def kernel(xyzt, table0, table1, table2, table3, st_table1, W_out, b_out):
    B = xyzt.shape[0]
    tables = [table0.reshape(-1, 32), table1.reshape(-1, 64),
              table2.reshape(-1, 128), table3.reshape(-1, 256),
              st_table1.reshape(-1, 64)]
    feats = _make_gather(B)(xyzt.T.reshape(-1), *tables)
    offs = [0, 32, 96, 224, 480, 544]
    ws = [W_out[offs[k]:offs[k + 1]] for k in range(5)]
    return _make_matmul(B)(*feats, *ws, b_out.reshape(1, 4))

# --- scband reference (transcript-rebuilt; emitter-appended) ---
"""Pipeline reference for scband-space-time-look-table-56246891709095 (READ-ONLY COPY).

The authoritative reference and input builder live on the scoring server;
editing this copy changes nothing except your own understanding.
"""

import jax, jax.numpy as jnp
import numpy as np


def setup_inputs(seed: int = 0) -> dict:
    key = jax.random.key(seed)
    ks = jax.random.split(key, 8)
    B = 16384
    xyzt = jax.random.uniform(ks[0], (B, 4), dtype=jnp.float32)
    table0 = jax.random.normal(ks[1], (128, 128, 128, 32), dtype=jnp.float32)
    table1 = jax.random.normal(ks[2], (64, 64, 64, 64), dtype=jnp.float32)
    table2 = jax.random.normal(ks[3], (32, 32, 32, 128), dtype=jnp.float32)
    table3 = jax.random.normal(ks[4], (16, 16, 16, 256), dtype=jnp.float32)
    st_table1 = jax.random.normal(ks[5], (16, 16, 16, 64, 64), dtype=jnp.float32)
    feat_dim = 32 + 64 + 128 + 256 + 64
    W_out = jax.random.normal(ks[6], (feat_dim, 4), dtype=jnp.float32) * 0.05
    b_out = jnp.zeros((4,), dtype=jnp.float32)
    return {
        'xyzt': xyzt,
        'table0': table0,
        'table1': table1,
        'table2': table2,
        'table3': table3,
        'st_table1': st_table1,
        'W_out': W_out,
        'b_out': b_out,
    }


def _scale_indices(coords, dims):
    # mirrors LearnableLookupTable.scale_indices: (coords * dims).long(), clamped in-range
    d = jnp.array(dims, dtype=jnp.float32)
    idx = (coords * d).astype(jnp.int32)
    hi = jnp.array(dims, dtype=jnp.int32) - 1
    return jnp.clip(idx, 0, hi)


def _lookup3(table, xyz):
    idx = _scale_indices(xyz, table.shape[:3])
    return table[idx[:, 0], idx[:, 1], idx[:, 2]]


def _lookup4(table, xyzt):
    idx = _scale_indices(xyzt, table.shape[:4])
    return table[idx[:, 0], idx[:, 1], idx[:, 2], idx[:, 3]]


def reference(xyzt, table0, table1, table2, table3, st_table1, W_out, b_out):
    xyz = xyzt[:, :3]
    f0 = _lookup3(table0, xyz)
    f1 = _lookup3(table1, xyz)
    f2 = _lookup3(table2, xyz)
    f3 = _lookup3(table3, xyz)
    f4 = _lookup4(st_table1, xyzt)
    feats = jnp.concatenate([f0, f1, f2, f3, f4], axis=-1)
    out = feats @ W_out + b_out
    return out

if __name__ == "__main__":
    import jax
    _d = setup_inputs()
    print(jax.jit(kernel)(*tuple(_d.values())))

</pallas_src>

<mosaic_0001>
#map = affine_map<(d0, d1) -> (0)>
#map1 = affine_map<(d0, d1) -> (0, 0)>
module attributes {stable_mosaic.version = 14 : i64} {
  func.func @gather_kernel(%arg0: i32, %arg1: i32, %arg2: memref<65536xf32, #tpu.memory_space<hbm>>, %arg3: memref<2097152x32xf32, #tpu.memory_space<hbm>>, %arg4: memref<262144x64xf32, #tpu.memory_space<hbm>>, %arg5: memref<32768x128xf32, #tpu.memory_space<hbm>>, %arg6: memref<4096x256xf32, #tpu.memory_space<hbm>>, %arg7: memref<262144x64xf32, #tpu.memory_space<hbm>>, %arg8: memref<16384x32xf32, #tpu.memory_space<hbm>>, %arg9: memref<16384x64xf32, #tpu.memory_space<hbm>>, %arg10: memref<16384x128xf32, #tpu.memory_space<hbm>>, %arg11: memref<16384x256xf32, #tpu.memory_space<hbm>>, %arg12: memref<16384x64xf32, #tpu.memory_space<hbm>>, %arg13: memref<2048xf32, #tpu.memory_space<vmem>>, %arg14: memref<512xi32, #tpu.memory_space<vmem>>, %arg15: memref<512xi32, #tpu.memory_space<vmem>>, %arg16: memref<512xi32, #tpu.memory_space<vmem>>, %arg17: memref<512xi32, #tpu.memory_space<vmem>>, %arg18: memref<512xi32, #tpu.memory_space<vmem>>, %arg19: memref<128x32xf32, #tpu.memory_space<vmem>>, %arg20: memref<128x64xf32, #tpu.memory_space<vmem>>, %arg21: memref<128x128xf32, #tpu.memory_space<vmem>>, %arg22: memref<128x256xf32, #tpu.memory_space<vmem>>, %arg23: memref<128x64xf32, #tpu.memory_space<vmem>>, %arg24: memref<!tpu.dma_semaphore, #tpu.memory_space<semaphore_mem>>) attributes {dimension_semantics = [#tpu.dimension_semantics<core_parallel>, #tpu.dimension_semantics<subcore_parallel>], iteration_bounds = array<i64: 2, 16>, scalar_prefetch = 0 : i64, scratch_operands = 12 : i64, tpu.core_type = #tpu.core_type<sc_vector_subcore>, window_params = [{transform_indices = #map}, {transform_indices = #map1}, {transform_indices = #map1}, {transform_indices = #map1}, {transform_indices = #map1}, {transform_indices = #map1}, {transform_indices = #map1}, {transform_indices = #map1}, {transform_indices = #map1}, {transform_indices = #map1}, {transform_indices = #map1}]} {
    %mul3A = arith.constant 2 : i32
    %mul3A_0 = arith.muli %arg1, %mul3A : i32
    %add3A = arith.addi %mul3A_0, %arg0 : i32
    %mul3A_1 = arith.constant 512 : i32
    %mul3A_2 = arith.muli %add3A, %mul3A_1 : i32
    %add3A_3 = arith.constant 0 : i32
    %add3A_4 = arith.addi %add3A_3, %mul3A_2 : i32
    "tpu.region"() ({
      %run_scoped3A = tpu.sem_alloc : memref<!tpu.dma_semaphore, #tpu.memory_space<semaphore_mem>>
      %dma_start3A_254 = arith.constant 0 : i32
      %dma_start3A_255 = tpu.memref_slice %arg13[%dma_start3A_254] : memref<2048xf32, #tpu.memory_space<vmem>> -> memref<512xf32, #tpu.memory_space<vmem>>
      %dma_start3A_256 = tpu.memref_slice %arg2[%add3A_4] : memref<65536xf32, #tpu.memory_space<hbm>> -> memref<512xf32, #tpu.memory_space<hbm>>
      %dma_start3A_257 = arith.constant 0 : i32
      %dma_start3A_258 = tpu.memref_slice %arg13[%dma_start3A_257] : memref<2048xf32, #tpu.memory_space<vmem>> -> memref<512xf32, #tpu.memory_space<vmem>>
      %dma_start3A_259 = tpu.memref_slice %arg2[%add3A_4] : memref<65536xf32, #tpu.memory_space<hbm>> -> memref<512xf32, #tpu.memory_space<hbm>>
      tpu.enqueue_dma source(%dma_start3A_259 : memref<512xf32, #tpu.memory_space<hbm>>) target(%dma_start3A_258 : memref<512xf32, #tpu.memory_space<vmem>>) target_semaphore(%run_scoped3A : memref<!tpu.dma_semaphore, #tpu.memory_space<semaphore_mem>>)
      %dma_wait3A_260 = arith.constant 0 : i32
      %dma_wait3A_261 = tpu.memref_slice %arg13[%dma_wait3A_260] : memref<2048xf32, #tpu.memory_space<vmem>> -> memref<512xf32, #tpu.memory_space<vmem>>
      %dma_wait3A_262 = tpu.memref_slice %arg2[%add3A_4] : memref<65536xf32, #tpu.memory_space<hbm>> -> memref<512xf32, #tpu.memory_space<hbm>>
      %dma_wait3A_263 = arith.constant 0 : i32
      %dma_wait3A_264 = tpu.memref_slice %arg13[%dma_wait3A_263] : memref<2048xf32, #tpu.memory_space<vmem>> -> memref<512xf32, #tpu.memory_space<vmem>>
      %dma_wait3A_265 = tpu.memref_slice %arg2[%add3A_4] : memref<65536xf32, #tpu.memory_space<hbm>> -> memref<512xf32, #tpu.memory_space<hbm>>
      tpu.wait_dma2 semaphore(%run_scoped3A : memref<!tpu.dma_semaphore, #tpu.memory_space<semaphore_mem>>) src(%dma_wait3A_265 : memref<512xf32, #tpu.memory_space<hbm>>) dst(%dma_wait3A_264 : memref<512xf32, #tpu.memory_space<vmem>>)
      tpu.yield
    }) : () -> ()
    %add3A_5 = arith.constant 16384 : i32
    %add3A_6 = arith.addi %add3A_5, %mul3A_2 : i32
    "tpu.region"() ({
      %run_scoped3A = tpu.sem_alloc : memref<!tpu.dma_semaphore, #tpu.memory_space<semaphore_mem>>
      %dma_start3A_254 = arith.constant 512 : i32
      %dma_start3A_255 = tpu.memref_slice %arg13[%dma_start3A_254] : memref<2048xf32, #tpu.memory_space<vmem>> -> memref<512xf32, #tpu.memory_space<vmem>>
      %dma_start3A_256 = tpu.memref_slice %arg2[%add3A_6] : memref<65536xf32, #tpu.memory_space<hbm>> -> memref<512xf32, #tpu.memory_space<hbm>>
      %dma_start3A_257 = arith.constant 512 : i32
      %dma_start3A_258 = tpu.memref_slice %arg13[%dma_start3A_257] : memref<2048xf32, #tpu.memory_space<vmem>> -> memref<512xf32, #tpu.memory_space<vmem>>
      %dma_start3A_259 = tpu.memref_slice %arg2[%add3A_6] : memref<65536xf32, #tpu.memory_space<hbm>> -> memref<512xf32, #tpu.memory_space<hbm>>
      tpu.enqueue_dma source(%dma_start3A_259 : memref<512xf32, #tpu.memory_space<hbm>>) target(%dma_start3A_258 : memref<512xf32, #tpu.memory_space<vmem>>) target_semaphore(%run_scoped3A : memref<!tpu.dma_semaphore, #tpu.memory_space<semaphore_mem>>)
      %dma_wait3A_260 = arith.constant 512 : i32
      %dma_wait3A_261 = tpu.memref_slice %arg13[%dma_wait3A_260] : memref<2048xf32, #tpu.memory_space<vmem>> -> memref<512xf32, #tpu.memory_space<vmem>>
      %dma_wait3A_262 = tpu.memref_slice %arg2[%add3A_6] : memref<65536xf32, #tpu.memory_space<hbm>> -> memref<512xf32, #tpu.memory_space<hbm>>
      %dma_wait3A_263 = arith.constant 512 : i32
      %dma_wait3A_264 = tpu.memref_slice %arg13[%dma_wait3A_263] : memref<2048xf32, #tpu.memory_space<vmem>> -> memref<512xf32, #tpu.memory_space<vmem>>
      %dma_wait3A_265 = tpu.memref_slice %arg2[%add3A_6] : memref<65536xf32, #tpu.memory_space<hbm>> -> memref<512xf32, #tpu.memory_space<hbm>>
      tpu.wait_dma2 semaphore(%run_scoped3A : memref<!tpu.dma_semaphore, #tpu.memory_space<semaphore_mem>>) src(%dma_wait3A_265 : memref<512xf32, #tpu.memory_space<hbm>>) dst(%dma_wait3A_264 : memref<512xf32, #tpu.memory_space<vmem>>)
      tpu.yield
    }) : () -> ()
    %add3A_7 = arith.constant 32768 : i32
    %add3A_8 = arith.addi %add3A_7, %mul3A_2 : i32
    "tpu.region"() ({
      %run_scoped3A = tpu.sem_alloc : memref<!tpu.dma_semaphore, #tpu.memory_space<semaphore_mem>>
      %dma_start3A_254 = arith.constant 1024 : i32
      %dma_start3A_255 = tpu.memref_slice %arg13[%dma_start3A_254] : memref<2048xf32, #tpu.memory_space<vmem>> -> memref<512xf32, #tpu.memory_space<vmem>>
      %dma_start3A_256 = tpu.memref_slice %arg2[%add3A_8] : memref<65536xf32, #tpu.memory_space<hbm>> -> memref<512xf32, #tpu.memory_space<hbm>>
      %dma_start3A_257 = arith.constant 1024 : i32
      %dma_start3A_258 = tpu.memref_slice %arg13[%dma_start3A_257] : memref<2048xf32, #tpu.memory_space<vmem>> -> memref<512xf32, #tpu.memory_space<vmem>>
      %dma_start3A_259 = tpu.memref_slice %arg2[%add3A_8] : memref<65536xf32, #tpu.memory_space<hbm>> -> memref<512xf32, #tpu.memory_space<hbm>>
      tpu.enqueue_dma source(%dma_start3A_259 : memref<512xf32, #tpu.memory_space<hbm>>) target(%dma_start3A_258 : memref<512xf32, #tpu.memory_space<vmem>>) target_semaphore(%run_scoped3A : memref<!tpu.dma_semaphore, #tpu.memory_space<semaphore_mem>>)
      %dma_wait3A_260 = arith.constant 1024 : i32
      %dma_wait3A_261 = tpu.memref_slice %arg13[%dma_wait3A_260] : memref<2048xf32, #tpu.memory_space<vmem>> -> memref<512xf32, #tpu.memory_space<vmem>>
      %dma_wait3A_262 = tpu.memref_slice %arg2[%add3A_8] : memref<65536xf32, #tpu.memory_space<hbm>> -> memref<512xf32, #tpu.memory_space<hbm>>
      %dma_wait3A_263 = arith.constant 1024 : i32
      %dma_wait3A_264 = tpu.memref_slice %arg13[%dma_wait3A_263] : memref<2048xf32, #tpu.memory_space<vmem>> -> memref<512xf32, #tpu.memory_space<vmem>>
      %dma_wait3A_265 = tpu.memref_slice %arg2[%add3A_8] : memref<65536xf32, #tpu.memory_space<hbm>> -> memref<512xf32, #tpu.memory_space<hbm>>
      tpu.wait_dma2 semaphore(%run_scoped3A : memref<!tpu.dma_semaphore, #tpu.memory_space<semaphore_mem>>) src(%dma_wait3A_265 : memref<512xf32, #tpu.memory_space<hbm>>) dst(%dma_wait3A_264 : memref<512xf32, #tpu.memory_space<vmem>>)
      tpu.yield
    }) : () -> ()
    %add3A_9 = arith.constant 49152 : i32
    %add3A_10 = arith.addi %add3A_9, %mul3A_2 : i32
    "tpu.region"() ({
      %run_scoped3A = tpu.sem_alloc : memref<!tpu.dma_semaphore, #tpu.memory_space<semaphore_mem>>
      %dma_start3A_254 = arith.constant 1536 : i32
      %dma_start3A_255 = tpu.memref_slice %arg13[%dma_start3A_254] : memref<2048xf32, #tpu.memory_space<vmem>> -> memref<512xf32, #tpu.memory_space<vmem>>
      %dma_start3A_256 = tpu.memref_slice %arg2[%add3A_10] : memref<65536xf32, #tpu.memory_space<hbm>> -> memref<512xf32, #tpu.memory_space<hbm>>
      %dma_start3A_257 = arith.constant 1536 : i32
      %dma_start3A_258 = tpu.memref_slice %arg13[%dma_start3A_257] : memref<2048xf32, #tpu.memory_space<vmem>> -> memref<512xf32, #tpu.memory_space<vmem>>
      %dma_start3A_259 = tpu.memref_slice %arg2[%add3A_10] : memref<65536xf32, #tpu.memory_space<hbm>> -> memref<512xf32, #tpu.memory_space<hbm>>
      tpu.enqueue_dma source(%dma_start3A_259 : memref<512xf32, #tpu.memory_space<hbm>>) target(%dma_start3A_258 : memref<512xf32, #tpu.memory_space<vmem>>) target_semaphore(%run_scoped3A : memref<!tpu.dma_semaphore, #tpu.memory_space<semaphore_mem>>)
      %dma_wait3A_260 = arith.constant 1536 : i32
      %dma_wait3A_261 = tpu.memref_slice %arg13[%dma_wait3A_260] : memref<2048xf32, #tpu.memory_space<vmem>> -> memref<512xf32, #tpu.memory_space<vmem>>
      %dma_wait3A_262 = tpu.memref_slice %arg2[%add3A_10] : memref<65536xf32, #tpu.memory_space<hbm>> -> memref<512xf32, #tpu.memory_space<hbm>>
      %dma_wait3A_263 = arith.constant 1536 : i32
      %dma_wait3A_264 = tpu.memref_slice %arg13[%dma_wait3A_263] : memref<2048xf32, #tpu.memory_space<vmem>> -> memref<512xf32, #tpu.memory_space<vmem>>
      %dma_wait3A_265 = tpu.memref_slice %arg2[%add3A_10] : memref<65536xf32, #tpu.memory_space<hbm>> -> memref<512xf32, #tpu.memory_space<hbm>>
      tpu.wait_dma2 semaphore(%run_scoped3A : memref<!tpu.dma_semaphore, #tpu.memory_space<semaphore_mem>>) src(%dma_wait3A_265 : memref<512xf32, #tpu.memory_space<hbm>>) dst(%dma_wait3A_264 : memref<512xf32, #tpu.memory_space<vmem>>)
      tpu.yield
    }) : () -> ()
    %scan3A = arith.constant 0 : i32
    %scan3A_11 = arith.constant 0 : i32
    %scan3A_12 = arith.constant 32 : i32
    %scan3A_13 = arith.addi %scan3A_11, %scan3A_12 : i32
    %scan3A_14 = arith.constant 1 : i32
    scf.for %scan3A_254 = %scan3A_11 to %scan3A_13 step %scan3A_14  : i32 {
      %mul3A_255 = arith.constant 16 : i32
      %mul3A_256 = arith.muli %scan3A_254, %mul3A_255 : i32
      %multiple_of3A = tpu.assume_multiple %mul3A_256, 16 : i32
      %get3A = arith.index_cast %multiple_of3A : i32 to index
      %get3A_257 = tpu.vector_load %arg13[%get3A] {strides = array<i32>} : memref<2048xf32, #tpu.memory_space<vmem>>, vector<16xf32>,
      %get3A_258 = vector.shape_cast %get3A_257 : vector<16xf32> to vector<16xf32>
      %add3A_259 = arith.constant 512 : i32
      %add3A_260 = arith.addi %add3A_259, %multiple_of3A : i32
      %get3A_261 = arith.index_cast %add3A_260 : i32 to index
      %get3A_262 = tpu.vector_load %arg13[%get3A_261] {strides = array<i32>} : memref<2048xf32, #tpu.memory_space<vmem>>, vector<16xf32>,
      %get3A_263 = vector.shape_cast %get3A_262 : vector<16xf32> to vector<16xf32>
      %add3A_264 = arith.constant 1024 : i32
      %add3A_265 = arith.addi %add3A_264, %multiple_of3A : i32
      %get3A_266 = arith.index_cast %add3A_265 : i32 to index
      %get3A_267 = tpu.vector_load %arg13[%get3A_266] {strides = array<i32>} : memref<2048xf32, #tpu.memory_space<vmem>>, vector<16xf32>,
      %get3A_268 = vector.shape_cast %get3A_267 : vector<16xf32> to vector<16xf32>
      %add3A_269 = arith.constant 1536 : i32
      %add3A_270 = arith.addi %add3A_269, %multiple_of3A : i32
      %get3A_271 = arith.index_cast %add3A_270 : i32 to index
      %get3A_272 = tpu.vector_load %arg13[%get3A_271] {strides = array<i32>} : memref<2048xf32, #tpu.memory_space<vmem>>, vector<16xf32>,
      %get3A_273 = vector.shape_cast %get3A_272 : vector<16xf32> to vector<16xf32>
      %mul3A_274 = arith.constant 1.280000e+02 : f32
      %mul3A_275 = vector.broadcast %mul3A_274 : f32 to vector<16xf32>
      %mul3A_276 = arith.mulf %get3A_258, %mul3A_275 : vector<16xf32>
      %convert_element_type3A = arith.fptosi %mul3A_276 : vector<16xf32> to vector<16xi32>
      %jit3A = arith.constant 0 : i32
      %jit3A_277 = arith.constant 127 : i32
      %max3A = vector.broadcast %jit3A : i32 to vector<16xi32>
      %max3A_278 = arith.maxsi %max3A, %convert_element_type3A : vector<16xi32>
      %min3A = vector.broadcast %jit3A_277 : i32 to vector<16xi32>
      %min3A_279 = arith.minsi %min3A, %max3A_278 : vector<16xi32>
      %mul3A_280 = arith.constant 1.280000e+02 : f32
      %mul3A_281 = vector.broadcast %mul3A_280 : f32 to vector<16xf32>
      %mul3A_282 = arith.mulf %get3A_263, %mul3A_281 : vector<16xf32>
      %convert_element_type3A_283 = arith.fptosi %mul3A_282 : vector<16xf32> to vector<16xi32>
      %jit3A_284 = arith.constant 0 : i32
      %jit3A_285 = arith.constant 127 : i32
      %max3A_286 = vector.broadcast %jit3A_284 : i32 to vector<16xi32>
      %max3A_287 = arith.maxsi %max3A_286, %convert_element_type3A_283 : vector<16xi32>
      %min3A_288 = vector.broadcast %jit3A_285 : i32 to vector<16xi32>
      %min3A_289 = arith.minsi %min3A_288, %max3A_287 : vector<16xi32>
      %mul3A_290 = arith.constant 1.280000e+02 : f32
      %mul3A_291 = vector.broadcast %mul3A_290 : f32 to vector<16xf32>
      %mul3A_292 = arith.mulf %get3A_268, %mul3A_291 : vector<16xf32>
      %convert_element_type3A_293 = arith.fptosi %mul3A_292 : vector<16xf32> to vector<16xi32>
      %jit3A_294 = arith.constant 0 : i32
      %jit3A_295 = arith.constant 127 : i32
      %max3A_296 = vector.broadcast %jit3A_294 : i32 to vector<16xi32>
      %max3A_297 = arith.maxsi %max3A_296, %convert_element_type3A_293 : vector<16xi32>
      %min3A_298 = vector.broadcast %jit3A_295 : i32 to vector<16xi32>
      %min3A_299 = arith.minsi %min3A_298, %max3A_297 : vector<16xi32>
      %mul3A_300 = arith.constant 6.400000e+01 : f32
      %mul3A_301 = vector.broadcast %mul3A_300 : f32 to vector<16xf32>
      %mul3A_302 = arith.mulf %get3A_273, %mul3A_301 : vector<16xf32>
      %convert_element_type3A_303 = arith.fptosi %mul3A_302 : vector<16xf32> to vector<16xi32>
      %jit3A_304 = arith.constant 0 : i32
      %jit3A_305 = arith.constant 63 : i32
      %max3A_306 = vector.broadcast %jit3A_304 : i32 to vector<16xi32>
      %max3A_307 = arith.maxsi %max3A_306, %convert_element_type3A_303 : vector<16xi32>
      %min3A_308 = vector.broadcast %jit3A_305 : i32 to vector<16xi32>
      %min3A_309 = arith.minsi %min3A_308, %max3A_307 : vector<16xi32>
      %mul3A_310 = arith.constant 128 : i32
      %mul3A_311 = vector.broadcast %mul3A_310 : i32 to vector<16xi32>
      %mul3A_312 = arith.muli %min3A_279, %mul3A_311 : vector<16xi32>
      %add3A_313 = arith.addi %mul3A_312, %min3A_289 : vector<16xi32>
      %mul3A_314 = arith.constant 128 : i32
      %mul3A_315 = vector.broadcast %mul3A_314 : i32 to vector<16xi32>
      %mul3A_316 = arith.muli %add3A_313, %mul3A_315 : vector<16xi32>
      %add3A_317 = arith.addi %mul3A_316, %min3A_299 : vector<16xi32>
      %shift_right_arithmetic3A = arith.constant 1 : i32
      %shift_right_arithmetic3A_318 = vector.broadcast %shift_right_arithmetic3A : i32 to vector<16xi32>
      %shift_right_arithmetic3A_319 = arith.shrsi %min3A_279, %shift_right_arithmetic3A_318 : vector<16xi32>
      %mul3A_320 = arith.constant 64 : i32
      %mul3A_321 = vector.broadcast %mul3A_320 : i32 to vector<16xi32>
      %mul3A_322 = arith.muli %shift_right_arithmetic3A_319, %mul3A_321 : vector<16xi32>
      %shift_right_arithmetic3A_323 = arith.constant 1 : i32
      %shift_right_arithmetic3A_324 = vector.broadcast %shift_right_arithmetic3A_323 : i32 to vector<16xi32>
      %shift_right_arithmetic3A_325 = arith.shrsi %min3A_289, %shift_right_arithmetic3A_324 : vector<16xi32>
      %add3A_326 = arith.addi %mul3A_322, %shift_right_arithmetic3A_325 : vector<16xi32>
      %mul3A_327 = arith.constant 64 : i32
      %mul3A_328 = vector.broadcast %mul3A_327 : i32 to vector<16xi32>
      %mul3A_329 = arith.muli %add3A_326, %mul3A_328 : vector<16xi32>
      %shift_right_arithmetic3A_330 = arith.constant 1 : i32
      %shift_right_arithmetic3A_331 = vector.broadcast %shift_right_arithmetic3A_330 : i32 to vector<16xi32>
      %shift_right_arithmetic3A_332 = arith.shrsi %min3A_299, %shift_right_arithmetic3A_331 : vector<16xi32>
      %add3A_333 = arith.addi %mul3A_329, %shift_right_arithmetic3A_332 : vector<16xi32>
      %shift_right_arithmetic3A_334 = arith.constant 2 : i32
      %shift_right_arithmetic3A_335 = vector.broadcast %shift_right_arithmetic3A_334 : i32 to vector<16xi32>
      %shift_right_arithmetic3A_336 = arith.shrsi %min3A_279, %shift_right_arithmetic3A_335 : vector<16xi32>
      %mul3A_337 = arith.constant 32 : i32
      %mul3A_338 = vector.broadcast %mul3A_337 : i32 to vector<16xi32>
      %mul3A_339 = arith.muli %shift_right_arithmetic3A_336, %mul3A_338 : vector<16xi32>
      %shift_right_arithmetic3A_340 = arith.constant 2 : i32
      %shift_right_arithmetic3A_341 = vector.broadcast %shift_right_arithmetic3A_340 : i32 to vector<16xi32>
      %shift_right_arithmetic3A_342 = arith.shrsi %min3A_289, %shift_right_arithmetic3A_341 : vector<16xi32>
      %add3A_343 = arith.addi %mul3A_339, %shift_right_arithmetic3A_342 : vector<16xi32>
      %mul3A_344 = arith.constant 32 : i32
      %mul3A_345 = vector.broadcast %mul3A_344 : i32 to vector<16xi32>
      %mul3A_346 = arith.muli %add3A_343, %mul3A_345 : vector<16xi32>
      %shift_right_arithmetic3A_347 = arith.constant 2 : i32
      %shift_right_arithmetic3A_348 = vector.broadcast %shift_right_arithmetic3A_347 : i32 to vector<16xi32>
      %shift_right_arithmetic3A_349 = arith.shrsi %min3A_299, %shift_right_arithmetic3A_348 : vector<16xi32>
      %add3A_350 = arith.addi %mul3A_346, %shift_right_arithmetic3A_349 : vector<16xi32>
      %shift_right_arithmetic3A_351 = arith.constant 3 : i32
      %shift_right_arithmetic3A_352 = vector.broadcast %shift_right_arithmetic3A_351 : i32 to vector<16xi32>
      %shift_right_arithmetic3A_353 = arith.shrsi %min3A_279, %shift_right_arithmetic3A_352 : vector<16xi32>
      %mul3A_354 = arith.constant 16 : i32
      %mul3A_355 = vector.broadcast %mul3A_354 : i32 to vector<16xi32>
      %mul3A_356 = arith.muli %shift_right_arithmetic3A_353, %mul3A_355 : vector<16xi32>
      %shift_right_arithmetic3A_357 = arith.constant 3 : i32
      %shift_right_arithmetic3A_358 = vector.broadcast %shift_right_arithmetic3A_357 : i32 to vector<16xi32>
      %shift_right_arithmetic3A_359 = arith.shrsi %min3A_289, %shift_right_arithmetic3A_358 : vector<16xi32>
      %add3A_360 = arith.addi %mul3A_356, %shift_right_arithmetic3A_359 : vector<16xi32>
      %mul3A_361 = arith.constant 16 : i32
      %mul3A_362 = vector.broadcast %mul3A_361 : i32 to vector<16xi32>
      %mul3A_363 = arith.muli %add3A_360, %mul3A_362 : vector<16xi32>
      %shift_right_arithmetic3A_364 = arith.constant 3 : i32
      %shift_right_arithmetic3A_365 = vector.broadcast %shift_right_arithmetic3A_364 : i32 to vector<16xi32>
      %shift_right_arithmetic3A_366 = arith.shrsi %min3A_299, %shift_right_arithmetic3A_365 : vector<16xi32>
      %add3A_367 = arith.addi %mul3A_363, %shift_right_arithmetic3A_366 : vector<16xi32>
      %mul3A_368 = arith.constant 64 : i32
      %mul3A_369 = vector.broadcast %mul3A_368 : i32 to vector<16xi32>
      %mul3A_370 = arith.muli %add3A_367, %mul3A_369 : vector<16xi32>
      %add3A_371 = arith.addi %mul3A_370, %min3A_309 : vector<16xi32>
      %mul3A_372 = arith.constant 16 : i32
      %mul3A_373 = arith.muli %scan3A_254, %mul3A_372 : i32
      %multiple_of3A_374 = tpu.assume_multiple %mul3A_373, 16 : i32
      %swap3A = arith.index_cast %multiple_of3A_374 : i32 to index
      %swap3A_375 = tpu.vector_load %arg14[%swap3A] {strides = array<i32>} : memref<512xi32, #tpu.memory_space<vmem>>, vector<16xi32>,
      %swap3A_376 = vector.shape_cast %swap3A_375 : vector<16xi32> to vector<16xi32>
      %swap3A_377 = vector.shape_cast %add3A_317 : vector<16xi32> to vector<16xi32>
      tpu.vector_store %arg14[%swap3A], %swap3A_377 {strides = array<i32>} : memref<512xi32, #tpu.memory_space<vmem>>, vector<16xi32>,
      %swap3A_378 = arith.index_cast %multiple_of3A_374 : i32 to index
      %swap3A_379 = tpu.vector_load %arg15[%swap3A_378] {strides = array<i32>} : memref<512xi32, #tpu.memory_space<vmem>>, vector<16xi32>,
      %swap3A_380 = vector.shape_cast %swap3A_379 : vector<16xi32> to vector<16xi32>
      %swap3A_381 = vector.shape_cast %add3A_333 : vector<16xi32> to vector<16xi32>
      tpu.vector_store %arg15[%swap3A_378], %swap3A_381 {strides = array<i32>} : memref<512xi32, #tpu.memory_space<vmem>>, vector<16xi32>,
      %swap3A_382 = arith.index_cast %multiple_of3A_374 : i32 to index
      %swap3A_383 = tpu.vector_load %arg16[%swap3A_382] {strides = array<i32>} : memref<512xi32, #tpu.memory_space<vmem>>, vector<16xi32>,
      %swap3A_384 = vector.shape_cast %swap3A_383 : vector<16xi32> to vector<16xi32>
      %swap3A_385 = vector.shape_cast %add3A_350 : vector<16xi32> to vector<16xi32>
      tpu.vector_store %arg16[%swap3A_382], %swap3A_385 {strides = array<i32>} : memref<512xi32, #tpu.memory_space<vmem>>, vector<16xi32>,
      %swap3A_386 = arith.index_cast %multiple_of3A_374 : i32 to index
      %swap3A_387 = tpu.vector_load %arg17[%swap3A_386] {strides = array<i32>} : memref<512xi32, #tpu.memory_space<vmem>>, vector<16xi32>,
      %swap3A_388 = vector.shape_cast %swap3A_387 : vector<16xi32> to vector<16xi32>
      %swap3A_389 = vector.shape_cast %add3A_367 : vector<16xi32> to vector<16xi32>
      tpu.vector_store %arg17[%swap3A_386], %swap3A_389 {strides = array<i32>} : memref<512xi32, #tpu.memory_space<vmem>>, vector<16xi32>,
      %swap3A_390 = arith.index_cast %multiple_of3A_374 : i32 to index
      %swap3A_391 = tpu.vector_load %arg18[%swap3A_390] {strides = array<i32>} : memref<512xi32, #tpu.memory_space<vmem>>, vector<16xi32>,
      %swap3A_392 = vector.shape_cast %swap3A_391 : vector<16xi32> to vector<16xi32>
      %swap3A_393 = vector.shape_cast %add3A_371 : vector<16xi32> to vector<16xi32>
      tpu.vector_store %arg18[%swap3A_390], %swap3A_393 {strides = array<i32>} : memref<512xi32, #tpu.memory_space<vmem>>, vector<16xi32>,
    }
    %scan3A_15 = arith.constant 32 : i32
    %dma_start3A = arith.constant 0 : i32
    %dma_start3A_16 = tpu.memref_slice %arg14[%dma_start3A] : memref<512xi32, #tpu.memory_space<vmem>> -> memref<128xi32, #tpu.memory_space<vmem>>
    %dma_start3A_17 = arith.constant 0 : i32
    %dma_start3A_18 = arith.constant 0 : i32
    %dma_start3A_19 = tpu.memref_slice %arg3[%dma_start3A_17, %dma_start3A_18] : memref<2097152x32xf32, #tpu.memory_space<hbm>> -> memref<2097152x32xf32, #tpu.memory_space<hbm>>
    tpu.enqueue_indirect_dma source(%dma_start3A_19 : memref<2097152x32xf32, #tpu.memory_space<hbm>>) target(%arg19 : memref<128x32xf32, #tpu.memory_space<vmem>>) offsets(%dma_start3A_16 : memref<128xi32, #tpu.memory_space<vmem>>) semaphore(%arg24 : memref<!tpu.dma_semaphore, #tpu.memory_space<semaphore_mem>>)
    %dma_wait3A = arith.constant 0 : i32
    %dma_wait3A_20 = tpu.memref_slice %arg14[%dma_wait3A] : memref<512xi32, #tpu.memory_space<vmem>> -> memref<128xi32, #tpu.memory_space<vmem>>
    %dma_wait3A_21 = arith.constant 0 : i32
    %dma_wait3A_22 = arith.constant 0 : i32
    %dma_wait3A_23 = tpu.memref_slice %arg3[%dma_wait3A_21, %dma_wait3A_22] : memref<2097152x32xf32, #tpu.memory_space<hbm>> -> memref<2097152x32xf32, #tpu.memory_space<hbm>>
    tpu.wait_indirect_dma semaphore(%arg24 : memref<!tpu.dma_semaphore, #tpu.memory_space<semaphore_mem>>) src(%dma_wait3A_23 : memref<2097152x32xf32, #tpu.memory_space<hbm>>) dst(%arg19 : memref<128x32xf32, #tpu.memory_space<vmem>>)
    %add3A_24 = arith.constant 0 : i32
    %add3A_25 = arith.addi %mul3A_2, %add3A_24 : i32
    "tpu.region"() ({
      %run_scoped3A = tpu.sem_alloc : memref<!tpu.dma_semaphore, #tpu.memory_space<semaphore_mem>>
      %dma_start3A_254 = arith.constant 0 : i32
      %dma_start3A_255 = tpu.memref_slice %arg8[%add3A_25, %dma_start3A_254] : memref<16384x32xf32, #tpu.memory_space<hbm>> -> memref<128x32xf32, #tpu.memory_space<hbm>>
      %dma_start3A_256 = arith.constant 0 : i32
      %dma_start3A_257 = tpu.memref_slice %arg8[%add3A_25, %dma_start3A_256] : memref<16384x32xf32, #tpu.memory_space<hbm>> -> memref<128x32xf32, #tpu.memory_space<hbm>>
      tpu.enqueue_dma source(%arg19 : memref<128x32xf32, #tpu.memory_space<vmem>>) target(%dma_start3A_257 : memref<128x32xf32, #tpu.memory_space<hbm>>) target_semaphore(%run_scoped3A : memref<!tpu.dma_semaphore, #tpu.memory_space<semaphore_mem>>)
      %dma_wait3A_258 = arith.constant 0 : i32
      %dma_wait3A_259 = tpu.memref_slice %arg8[%add3A_25, %dma_wait3A_258] : memref<16384x32xf32, #tpu.memory_space<hbm>> -> memref<128x32xf32, #tpu.memory_space<hbm>>
      %dma_wait3A_260 = arith.constant 0 : i32
      %dma_wait3A_261 = tpu.memref_slice %arg8[%add3A_25, %dma_wait3A_260] : memref<16384x32xf32, #tpu.memory_space<hbm>> -> memref<128x32xf32, #tpu.memory_space<hbm>>
      tpu.wait_dma2 semaphore(%run_scoped3A : memref<!tpu.dma_semaphore, #tpu.memory_space<semaphore_mem>>) src(%arg19 : memref<128x32xf32, #tpu.memory_space<vmem>>) dst(%dma_wait3A_261 : memref<128x32xf32, #tpu.memory_space<hbm>>)
      tpu.yield
    }) : () -> ()
    %dma_start3A_26 = arith.constant 128 : i32
    %dma_start3A_27 = tpu.memref_slice %arg14[%dma_start3A_26] : memref<512xi32, #tpu.memory_space<vmem>> -> memref<128xi32, #tpu.memory_space<vmem>>
    %dma_start3A_28 = arith.constant 0 : i32
    %dma_start3A_29 = arith.constant 0 : i32
    %dma_start3A_30 = tpu.memref_slice %arg3[%dma_start3A_28, %dma_start3A_29] : memref<2097152x32xf32, #tpu.memory_space<hbm>> -> memref<2097152x32xf32, #tpu.memory_space<hbm>>
    tpu.enqueue_indirect_dma source(%dma_start3A_30 : memref<2097152x32xf32, #tpu.memory_space<hbm>>) target(%arg19 : memref<128x32xf32, #tpu.memory_space<vmem>>) offsets(%dma_start3A_27 : memref<128xi32, #tpu.memory_space<vmem>>) semaphore(%arg24 : memref<!tpu.dma_semaphore, #tpu.memory_space<semaphore_mem>>)
    %dma_wait3A_31 = arith.constant 128 : i32
    %dma_wait3A_32 = tpu.memref_slice %arg14[%dma_wait3A_31] : memref<512xi32, #tpu.memory_space<vmem>> -> memref<128xi32, #tpu.memory_space<vmem>>
    %dma_wait3A_33 = arith.constant 0 : i32
    %dma_wait3A_34 = arith.constant 0 : i32
    %dma_wait3A_35 = tpu.memref_slice %arg3[%dma_wait3A_33, %dma_wait3A_34] : memref<2097152x32xf32, #tpu.memory_space<hbm>> -> memref<2097152x32xf32, #tpu.memory_space<hbm>>
    tpu.wait_indirect_dma semaphore(%arg24 : memref<!tpu.dma_semaphore, #tpu.memory_space<semaphore_mem>>) src(%dma_wait3A_35 : memref<2097152x32xf32, #tpu.memory_space<hbm>>) dst(%arg19 : memref<128x32xf32, #tpu.memory_space<vmem>>)
    %add3A_36 = arith.constant 128 : i32
    %add3A_37 = arith.addi %mul3A_2, %add3A_36 : i32
    "tpu.region"() ({
      %run_scoped3A = tpu.sem_alloc : memref<!tpu.dma_semaphore, #tpu.memory_space<semaphore_mem>>
      %dma_start3A_254 = arith.constant 0 : i32
      %dma_start3A_255 = tpu.memref_slice %arg8[%add3A_37, %dma_start3A_254] : memref<16384x32xf32, #tpu.memory_space<hbm>> -> memref<128x32xf32, #tpu.memory_space<hbm>>
      %dma_start3A_256 = arith.constant 0 : i32
      %dma_start3A_257 = tpu.memref_slice %arg8[%add3A_37, %dma_start3A_256] : memref<16384x32xf32, #tpu.memory_space<hbm>> -> memref<128x32xf32, #tpu.memory_space<hbm>>
      tpu.enqueue_dma source(%arg19 : memref<128x32xf32, #tpu.memory_space<vmem>>) target(%dma_start3A_257 : memref<128x32xf32, #tpu.memory_space<hbm>>) target_semaphore(%run_scoped3A : memref<!tpu.dma_semaphore, #tpu.memory_space<semaphore_mem>>)
      %dma_wait3A_258 = arith.constant 0 : i32
      %dma_wait3A_259 = tpu.memref_slice %arg8[%add3A_37, %dma_wait3A_258] : memref<16384x32xf32, #tpu.memory_space<hbm>> -> memref<128x32xf32, #tpu.memory_space<hbm>>
      %dma_wait3A_260 = arith.constant 0 : i32
      %dma_wait3A_261 = tpu.memref_slice %arg8[%add3A_37, %dma_wait3A_260] : memref<16384x32xf32, #tpu.memory_space<hbm>> -> memref<128x32xf32, #tpu.memory_space<hbm>>
      tpu.wait_dma2 semaphore(%run_scoped3A : memref<!tpu.dma_semaphore, #tpu.memory_space<semaphore_mem>>) src(%arg19 : memref<128x32xf32, #tpu.memory_space<vmem>>) dst(%dma_wait3A_261 : memref<128x32xf32, #tpu.memory_space<hbm>>)
      tpu.yield
    }) : () -> ()
    %dma_start3A_38 = arith.constant 256 : i32
    %dma_start3A_39 = tpu.memref_slice %arg14[%dma_start3A_38] : memref<512xi32, #tpu.memory_space<vmem>> -> memref<128xi32, #tpu.memory_space<vmem>>
    %dma_start3A_40 = arith.constant 0 : i32
    %dma_start3A_41 = arith.constant 0 : i32
    %dma_start3A_42 = tpu.memref_slice %arg3[%dma_start3A_40, %dma_start3A_41] : memref<2097152x32xf32, #tpu.memory_space<hbm>> -> memref<2097152x32xf32, #tpu.memory_space<hbm>>
    tpu.enqueue_indirect_dma source(%dma_start3A_42 : memref<2097152x32xf32, #tpu.memory_space<hbm>>) target(%arg19 : memref<128x32xf32, #tpu.memory_space<vmem>>) offsets(%dma_start3A_39 : memref<128xi32, #tpu.memory_space<vmem>>) semaphore(%arg24 : memref<!tpu.dma_semaphore, #tpu.memory_space<semaphore_mem>>)
    %dma_wait3A_43 = arith.constant 256 : i32
    %dma_wait3A_44 = tpu.memref_slice %arg14[%dma_wait3A_43] : memref<512xi32, #tpu.memory_space<vmem>> -> memref<128xi32, #tpu.memory_space<vmem>>
    %dma_wait3A_45 = arith.constant 0 : i32
    %dma_wait3A_46 = arith.constant 0 : i32
    %dma_wait3A_47 = tpu.memref_slice %arg3[%dma_wait3A_45, %dma_wait3A_46] : memref<2097152x32xf32, #tpu.memory_space<hbm>> -> memref<2097152x32xf32, #tpu.memory_space<hbm>>
    tpu.wait_indirect_dma semaphore(%arg24 : memref<!tpu.dma_semaphore, #tpu.memory_space<semaphore_mem>>) src(%dma_wait3A_47 : memref<2097152x32xf32, #tpu.memory_space<hbm>>) dst(%arg19 : memref<128x32xf32, #tpu.memory_space<vmem>>)
    %add3A_48 = arith.constant 256 : i32
    %add3A_49 = arith.addi %mul3A_2, %add3A_48 : i32
    "tpu.region"() ({
      %run_scoped3A = tpu.sem_alloc : memref<!tpu.dma_semaphore, #tpu.memory_space<semaphore_mem>>
      %dma_start3A_254 = arith.constant 0 : i32
      %dma_start3A_255 = tpu.memref_slice %arg8[%add3A_49, %dma_start3A_254] : memref<16384x32xf32, #tpu.memory_space<hbm>> -> memref<128x32xf32, #tpu.memory_space<hbm>>
      %dma_start3A_256 = arith.constant 0 : i32
      %dma_start3A_257 = tpu.memref_slice %arg8[%add3A_49, %dma_start3A_256] : memref<16384x32xf32, #tpu.memory_space<hbm>> -> memref<128x32xf32, #tpu.memory_space<hbm>>
      tpu.enqueue_dma source(%arg19 : memref<128x32xf32, #tpu.memory_space<vmem>>) target(%dma_start3A_257 : memref<128x32xf32, #tpu.memory_space<hbm>>) target_semaphore(%run_scoped3A : memref<!tpu.dma_semaphore, #tpu.memory_space<semaphore_mem>>)
      %dma_wait3A_258 = arith.constant 0 : i32
      %dma_wait3A_259 = tpu.memref_slice %arg8[%add3A_49, %dma_wait3A_258] : memref<16384x32xf32, #tpu.memory_space<hbm>> -> memref<128x32xf32, #tpu.memory_space<hbm>>
      %dma_wait3A_260 = arith.constant 0 : i32
      %dma_wait3A_261 = tpu.memref_slice %arg8[%add3A_49, %dma_wait3A_260] : memref<16384x32xf32, #tpu.memory_space<hbm>> -> memref<128x32xf32, #tpu.memory_space<hbm>>
      tpu.wait_dma2 semaphore(%run_scoped3A : memref<!tpu.dma_semaphore, #tpu.memory_space<semaphore_mem>>) src(%arg19 : memref<128x32xf32, #tpu.memory_space<vmem>>) dst(%dma_wait3A_261 : memref<128x32xf32, #tpu.memory_space<hbm>>)
      tpu.yield
    }) : () -> ()
    %dma_start3A_50 = arith.constant 384 : i32
    %dma_start3A_51 = tpu.memref_slice %arg14[%dma_start3A_50] : memref<512xi32, #tpu.memory_space<vmem>> -> memref<128xi32, #tpu.memory_space<vmem>>
    %dma_start3A_52 = arith.constant 0 : i32
    %dma_start3A_53 = arith.constant 0 : i32
    %dma_start3A_54 = tpu.memref_slice %arg3[%dma_start3A_52, %dma_start3A_53] : memref<2097152x32xf32, #tpu.memory_space<hbm>> -> memref<2097152x32xf32, #tpu.memory_space<hbm>>
    tpu.enqueue_indirect_dma source(%dma_start3A_54 : memref<2097152x32xf32, #tpu.memory_space<hbm>>) target(%arg19 : memref<128x32xf32, #tpu.memory_space<vmem>>) offsets(%dma_start3A_51 : memref<128xi32, #tpu.memory_space<vmem>>) semaphore(%arg24 : memref<!tpu.dma_semaphore, #tpu.memory_space<semaphore_mem>>)
    %dma_wait3A_55 = arith.constant 384 : i32
    %dma_wait3A_56 = tpu.memref_slice %arg14[%dma_wait3A_55] : memref<512xi32, #tpu.memory_space<vmem>> -> memref<128xi32, #tpu.memory_space<vmem>>
    %dma_wait3A_57 = arith.constant 0 : i32
    %dma_wait3A_58 = arith.constant 0 : i32
    %dma_wait3A_59 = tpu.memref_slice %arg3[%dma_wait3A_57, %dma_wait3A_58] : memref<2097152x32xf32, #tpu.memory_space<hbm>> -> memref<2097152x32xf32, #tpu.memory_space<hbm>>
    tpu.wait_indirect_dma semaphore(%arg24 : memref<!tpu.dma_semaphore, #tpu.memory_space<semaphore_mem>>) src(%dma_wait3A_59 : memref<2097152x32xf32, #tpu.memory_space<hbm>>) dst(%arg19 : memref<128x32xf32, #tpu.memory_space<vmem>>)
    %add3A_60 = arith.constant 384 : i32
    %add3A_61 = arith.addi %mul3A_2, %add3A_60 : i32
    "tpu.region"() ({
      %run_scoped3A = tpu.sem_alloc : memref<!tpu.dma_semaphore, #tpu.memory_space<semaphore_mem>>
      %dma_start3A_254 = arith.constant 0 : i32
      %dma_start3A_255 = tpu.memref_slice %arg8[%add3A_61, %dma_start3A_254] : memref<16384x32xf32, #tpu.memory_space<hbm>> -> memref<128x32xf32, #tpu.memory_space<hbm>>
      %dma_start3A_256 = arith.constant 0 : i32
      %dma_start3A_257 = tpu.memref_slice %arg8[%add3A_61, %dma_start3A_256] : memref<16384x32xf32, #tpu.memory_space<hbm>> -> memref<128x32xf32, #tpu.memory_space<hbm>>
      tpu.enqueue_dma source(%arg19 : memref<128x32xf32, #tpu.memory_space<vmem>>) target(%dma_start3A_257 : memref<128x32xf32, #tpu.memory_space<hbm>>) target_semaphore(%run_scoped3A : memref<!tpu.dma_semaphore, #tpu.memory_space<semaphore_mem>>)
      %dma_wait3A_258 = arith.constant 0 : i32
      %dma_wait3A_259 = tpu.memref_slice %arg8[%add3A_61, %dma_wait3A_258] : memref<16384x32xf32, #tpu.memory_space<hbm>> -> memref<128x32xf32, #tpu.memory_space<hbm>>
      %dma_wait3A_260 = arith.constant 0 : i32
      %dma_wait3A_261 = tpu.memref_slice %arg8[%add3A_61, %dma_wait3A_260] : memref<16384x32xf32, #tpu.memory_space<hbm>> -> memref<128x32xf32, #tpu.memory_space<hbm>>
      tpu.wait_dma2 semaphore(%run_scoped3A : memref<!tpu.dma_semaphore, #tpu.memory_space<semaphore_mem>>) src(%arg19 : memref<128x32xf32, #tpu.memory_space<vmem>>) dst(%dma_wait3A_261 : memref<128x32xf32, #tpu.memory_space<hbm>>)
      tpu.yield
    }) : () -> ()
    %dma_start3A_62 = arith.constant 0 : i32
    %dma_start3A_63 = tpu.memref_slice %arg15[%dma_start3A_62] : memref<512xi32, #tpu.memory_space<vmem>> -> memref<128xi32, #tpu.memory_space<vmem>>
    %dma_start3A_64 = arith.constant 0 : i32
    %dma_start3A_65 = arith.constant 0 : i32
    %dma_start3A_66 = tpu.memref_slice %arg4[%dma_start3A_64, %dma_start3A_65] : memref<262144x64xf32, #tpu.memory_space<hbm>> -> memref<262144x64xf32, #tpu.memory_space<hbm>>
    tpu.enqueue_indirect_dma source(%dma_start3A_66 : memref<262144x64xf32, #tpu.memory_space<hbm>>) target(%arg20 : memref<128x64xf32, #tpu.memory_space<vmem>>) offsets(%dma_start3A_63 : memref<128xi32, #tpu.memory_space<vmem>>) semaphore(%arg24 : memref<!tpu.dma_semaphore, #tpu.memory_space<semaphore_mem>>)
    %dma_wait3A_67 = arith.constant 0 : i32
    %dma_wait3A_68 = tpu.memref_slice %arg15[%dma_wait3A_67] : memref<512xi32, #tpu.memory_space<vmem>> -> memref<128xi32, #tpu.memory_space<vmem>>
    %dma_wait3A_69 = arith.constant 0 : i32
    %dma_wait3A_70 = arith.constant 0 : i32
    %dma_wait3A_71 = tpu.memref_slice %arg4[%dma_wait3A_69, %dma_wait3A_70] : memref<262144x64xf32, #tpu.memory_space<hbm>> -> memref<262144x64xf32, #tpu.memory_space<hbm>>
    tpu.wait_indirect_dma semaphore(%arg24 : memref<!tpu.dma_semaphore, #tpu.memory_space<semaphore_mem>>) src(%dma_wait3A_71 : memref<262144x64xf32, #tpu.memory_space<hbm>>) dst(%arg20 : memref<128x64xf32, #tpu.memory_space<vmem>>)
    %add3A_72 = arith.constant 0 : i32
    %add3A_73 = arith.addi %mul3A_2, %add3A_72 : i32
    "tpu.region"() ({
      %run_scoped3A = tpu.sem_alloc : memref<!tpu.dma_semaphore, #tpu.memory_space<semaphore_mem>>
      %dma_start3A_254 = arith.constant 0 : i32
      %dma_start3A_255 = tpu.memref_slice %arg9[%add3A_73, %dma_start3A_254] : memref<16384x64xf32, #tpu.memory_space<hbm>> -> memref<128x64xf32, #tpu.memory_space<hbm>>
      %dma_start3A_256 = arith.constant 0 : i32
      %dma_start3A_257 = tpu.memref_slice %arg9[%add3A_73, %dma_start3A_256] : memref<16384x64xf32, #tpu.memory_space<hbm>> -> memref<128x64xf32, #tpu.memory_space<hbm>>
      tpu.enqueue_dma source(%arg20 : memref<128x64xf32, #tpu.memory_space<vmem>>) target(%dma_start3A_257 : memref<128x64xf32, #tpu.memory_space<hbm>>) target_semaphore(%run_scoped3A : memref<!tpu.dma_semaphore, #tpu.memory_space<semaphore_mem>>)
      %dma_wait3A_258 = arith.constant 0 : i32
      %dma_wait3A_259 = tpu.memref_slice %arg9[%add3A_73, %dma_wait3A_258] : memref<16384x64xf32, #tpu.memory_space<hbm>> -> memref<128x64xf32, #tpu.memory_space<hbm>>
      %dma_wait3A_260 = arith.constant 0 : i32
      %dma_wait3A_261 = tpu.memref_slice %arg9[%add3A_73, %dma_wait3A_260] : memref<16384x64xf32, #tpu.memory_space<hbm>> -> memref<128x64xf32, #tpu.memory_space<hbm>>
      tpu.wait_dma2 semaphore(%run_scoped3A : memref<!tpu.dma_semaphore, #tpu.memory_space<semaphore_mem>>) src(%arg20 : memref<128x64xf32, #tpu.memory_space<vmem>>) dst(%dma_wait3A_261 : memref<128x64xf32, #tpu.memory_space<hbm>>)
      tpu.yield
    }) : () -> ()
    %dma_start3A_74 = arith.constant 128 : i32
    %dma_start3A_75 = tpu.memref_slice %arg15[%dma_start3A_74] : memref<512xi32, #tpu.memory_space<vmem>> -> memref<128xi32, #tpu.memory_space<vmem>>
    %dma_start3A_76 = arith.constant 0 : i32
    %dma_start3A_77 = arith.constant 0 : i32
    %dma_start3A_78 = tpu.memref_slice %arg4[%dma_start3A_76, %dma_start3A_77] : memref<262144x64xf32, #tpu.memory_space<hbm>> -> memref<262144x64xf32, #tpu.memory_space<hbm>>
    tpu.enqueue_indirect_dma source(%dma_start3A_78 : memref<262144x64xf32, #tpu.memory_space<hbm>>) target(%arg20 : memref<128x64xf32, #tpu.memory_space<vmem>>) offsets(%dma_start3A_75 : memref<128xi32, #tpu.memory_space<vmem>>) semaphore(%arg24 : memref<!tpu.dma_semaphore, #tpu.memory_space<semaphore_mem>>)
    %dma_wait3A_79 = arith.constant 128 : i32
    %dma_wait3A_80 = tpu.memref_slice %arg15[%dma_wait3A_79] : memref<512xi32, #tpu.memory_space<vmem>> -> memref<128xi32, #tpu.memory_space<vmem>>
    %dma_wait3A_81 = arith.constant 0 : i32
    %dma_wait3A_82 = arith.constant 0 : i32
    %dma_wait3A_83 = tpu.memref_slice %arg4[%dma_wait3A_81, %dma_wait3A_82] : memref<262144x64xf32, #tpu.memory_space<hbm>> -> memref<262144x64xf32, #tpu.memory_space<hbm>>
    tpu.wait_indirect_dma semaphore(%arg24 : memref<!tpu.dma_semaphore, #tpu.memory_space<semaphore_mem>>) src(%dma_wait3A_83 : memref<262144x64xf32, #tpu.memory_space<hbm>>) dst(%arg20 : memref<128x64xf32, #tpu.memory_space<vmem>>)
    %add3A_84 = arith.constant 128 : i32
    %add3A_85 = arith.addi %mul3A_2, %add3A_84 : i32
    "tpu.region"() ({
      %run_scoped3A = tpu.sem_alloc : memref<!tpu.dma_semaphore, #tpu.memory_space<semaphore_mem>>
      %dma_start3A_254 = arith.constant 0 : i32
      %dma_start3A_255 = tpu.memref_slice %arg9[%add3A_85, %dma_start3A_254] : memref<16384x64xf32, #tpu.memory_space<hbm>> -> memref<128x64xf32, #tpu.memory_space<hbm>>
      %dma_start3A_256 = arith.constant 0 : i32
      %dma_start3A_257 = tpu.memref_slice %arg9[%add3A_85, %dma_start3A_256] : memref<16384x64xf32, #tpu.memory_space<hbm>> -> memref<128x64xf32, #tpu.memory_space<hbm>>
      tpu.enqueue_dma source(%arg20 : memref<128x64xf32, #tpu.memory_space<vmem>>) target(%dma_start3A_257 : memref<128x64xf32, #tpu.memory_space<hbm>>) target_semaphore(%run_scoped3A : memref<!tpu.dma_semaphore, #tpu.memory_space<semaphore_mem>>)
      %dma_wait3A_258 = arith.constant 0 : i32
      %dma_wait3A_259 = tpu.memref_slice %arg9[%add3A_85, %dma_wait3A_258] : memref<16384x64xf32, #tpu.memory_space<hbm>> -> memref<128x64xf32, #tpu.memory_space<hbm>>
      %dma_wait3A_260 = arith.constant 0 : i32
      %dma_wait3A_261 = tpu.memref_slice %arg9[%add3A_85, %dma_wait3A_260] : memref<16384x64xf32, #tpu.memory_space<hbm>> -> memref<128x64xf32, #tpu.memory_space<hbm>>
      tpu.wait_dma2 semaphore(%run_scoped3A : memref<!tpu.dma_semaphore, #tpu.memory_space<semaphore_mem>>) src(%arg20 : memref<128x64xf32, #tpu.memory_space<vmem>>) dst(%dma_wait3A_261 : memref<128x64xf32, #tpu.memory_space<hbm>>)
      tpu.yield
    }) : () -> ()
    %dma_start3A_86 = arith.constant 256 : i32
    %dma_start3A_87 = tpu.memref_slice %arg15[%dma_start3A_86] : memref<512xi32, #tpu.memory_space<vmem>> -> memref<128xi32, #tpu.memory_space<vmem>>
    %dma_start3A_88 = arith.constant 0 : i32
    %dma_start3A_89 = arith.constant 0 : i32
    %dma_start3A_90 = tpu.memref_slice %arg4[%dma_start3A_88, %dma_start3A_89] : memref<262144x64xf32, #tpu.memory_space<hbm>> -> memref<262144x64xf32, #tpu.memory_space<hbm>>
    tpu.enqueue_indirect_dma source(%dma_start3A_90 : memref<262144x64xf32, #tpu.memory_space<hbm>>) target(%arg20 : memref<128x64xf32, #tpu.memory_space<vmem>>) offsets(%dma_start3A_87 : memref<128xi32, #tpu.memory_space<vmem>>) semaphore(%arg24 : memref<!tpu.dma_semaphore, #tpu.memory_space<semaphore_mem>>)
    %dma_wait3A_91 = arith.constant 256 : i32
    %dma_wait3A_92 = tpu.memref_slice %arg15[%dma_wait3A_91] : memref<512xi32, #tpu.memory_space<vmem>> -> memref<128xi32, #tpu.memory_space<vmem>>
    %dma_wait3A_93 = arith.constant 0 : i32
    %dma_wait3A_94 = arith.constant 0 : i32
    %dma_wait3A_95 = tpu.memref_slice %arg4[%dma_wait3A_93, %dma_wait3A_94] : memref<262144x64xf32, #tpu.memory_space<hbm>> -> memref<262144x64xf32, #tpu.memory_space<hbm>>
    tpu.wait_indirect_dma semaphore(%arg24 : memref<!tpu.dma_semaphore, #tpu.memory_space<semaphore_mem>>) src(%dma_wait3A_95 : memref<262144x64xf32, #tpu.memory_space<hbm>>) dst(%arg20 : memref<128x64xf32, #tpu.memory_space<vmem>>)
    %add3A_96 = arith.constant 256 : i32
    %add3A_97 = arith.addi %mul3A_2, %add3A_96 : i32
    "tpu.region"() ({
      %run_scoped3A = tpu.sem_alloc : memref<!tpu.dma_semaphore, #tpu.memory_space<semaphore_mem>>
      %dma_start3A_254 = arith.constant 0 : i32
      %dma_start3A_255 = tpu.memref_slice %arg9[%add3A_97, %dma_start3A_254] : memref<16384x64xf32, #tpu.memory_space<hbm>> -> memref<128x64xf32, #tpu.memory_space<hbm>>
      %dma_start3A_256 = arith.constant 0 : i32
      %dma_start3A_257 = tpu.memref_slice %arg9[%add3A_97, %dma_start3A_256] : memref<16384x64xf32, #tpu.memory_space<hbm>> -> memref<128x64xf32, #tpu.memory_space<hbm>>
      tpu.enqueue_dma source(%arg20 : memref<128x64xf32, #tpu.memory_space<vmem>>) target(%dma_start3A_257 : memref<128x64xf32, #tpu.memory_space<hbm>>) target_semaphore(%run_scoped3A : memref<!tpu.dma_semaphore, #tpu.memory_space<semaphore_mem>>)
      %dma_wait3A_258 = arith.constant 0 : i32
      %dma_wait3A_259 = tpu.memref_slice %arg9[%add3A_97, %dma_wait3A_258] : memref<16384x64xf32, #tpu.memory_space<hbm>> -> memref<128x64xf32, #tpu.memory_space<hbm>>
      %dma_wait3A_260 = arith.constant 0 : i32
      %dma_wait3A_261 = tpu.memref_slice %arg9[%add3A_97, %dma_wait3A_260] : memref<16384x64xf32, #tpu.memory_space<hbm>> -> memref<128x64xf32, #tpu.memory_space<hbm>>
      tpu.wait_dma2 semaphore(%run_scoped3A : memref<!tpu.dma_semaphore, #tpu.memory_space<semaphore_mem>>) src(%arg20 : memref<128x64xf32, #tpu.memory_space<vmem>>) dst(%dma_wait3A_261 : memref<128x64xf32, #tpu.memory_space<hbm>>)
      tpu.yield
    }) : () -> ()
    %dma_start3A_98 = arith.constant 384 : i32
    %dma_start3A_99 = tpu.memref_slice %arg15[%dma_start3A_98] : memref<512xi32, #tpu.memory_space<vmem>> -> memref<128xi32, #tpu.memory_space<vmem>>
    %dma_start3A_100 = arith.constant 0 : i32
    %dma_start3A_101 = arith.constant 0 : i32
    %dma_start3A_102 = tpu.memref_slice %arg4[%dma_start3A_100, %dma_start3A_101] : memref<262144x64xf32, #tpu.memory_space<hbm>> -> memref<262144x64xf32, #tpu.memory_space<hbm>>
    tpu.enqueue_indirect_dma source(%dma_start3A_102 : memref<262144x64xf32, #tpu.memory_space<hbm>>) target(%arg20 : memref<128x64xf32, #tpu.memory_space<vmem>>) offsets(%dma_start3A_99 : memref<128xi32, #tpu.memory_space<vmem>>) semaphore(%arg24 : memref<!tpu.dma_semaphore, #tpu.memory_space<semaphore_mem>>)
    %dma_wait3A_103 = arith.constant 384 : i32
    %dma_wait3A_104 = tpu.memref_slice %arg15[%dma_wait3A_103] : memref<512xi32, #tpu.memory_space<vmem>> -> memref<128xi32, #tpu.memory_space<vmem>>
    %dma_wait3A_105 = arith.constant 0 : i32
    %dma_wait3A_106 = arith.constant 0 : i32
    %dma_wait3A_107 = tpu.memref_slice %arg4[%dma_wait3A_105, %dma_wait3A_106] : memref<262144x64xf32, #tpu.memory_space<hbm>> -> memref<262144x64xf32, #tpu.memory_space<hbm>>
    tpu.wait_indirect_dma semaphore(%arg24 : memref<!tpu.dma_semaphore, #tpu.memory_space<semaphore_mem>>) src(%dma_wait3A_107 : memref<262144x64xf32, #tpu.memory_space<hbm>>) dst(%arg20 : memref<128x64xf32, #tpu.memory_space<vmem>>)
    %add3A_108 = arith.constant 384 : i32
    %add3A_109 = arith.addi %mul3A_2, %add3A_108 : i32
    "tpu.region"() ({
      %run_scoped3A = tpu.sem_alloc : memref<!tpu.dma_semaphore, #tpu.memory_space<semaphore_mem>>
      %dma_start3A_254 = arith.constant 0 : i32
      %dma_start3A_255 = tpu.memref_slice %arg9[%add3A_109, %dma_start3A_254] : memref<16384x64xf32, #tpu.memory_space<hbm>> -> memref<128x64xf32, #tpu.memory_space<hbm>>
      %dma_start3A_256 = arith.constant 0 : i32
      %dma_start3A_257 = tpu.memref_slice %arg9[%add3A_109, %dma_start3A_256] : memref<16384x64xf32, #tpu.memory_space<hbm>> -> memref<128x64xf32, #tpu.memory_space<hbm>>
      tpu.enqueue_dma source(%arg20 : memref<128x64xf32, #tpu.memory_space<vmem>>) target(%dma_start3A_257 : memref<128x64xf32, #tpu.memory_space<hbm>>) target_semaphore(%run_scoped3A : memref<!tpu.dma_semaphore, #tpu.memory_space<semaphore_mem>>)
      %dma_wait3A_258 = arith.constant 0 : i32
      %dma_wait3A_259 = tpu.memref_slice %arg9[%add3A_109, %dma_wait3A_258] : memref<16384x64xf32, #tpu.memory_space<hbm>> -> memref<128x64xf32, #tpu.memory_space<hbm>>
      %dma_wait3A_260 = arith.constant 0 : i32
      %dma_wait3A_261 = tpu.memref_slice %arg9[%add3A_109, %dma_wait3A_260] : memref<16384x64xf32, #tpu.memory_space<hbm>> -> memref<128x64xf32, #tpu.memory_space<hbm>>
      tpu.wait_dma2 semaphore(%run_scoped3A : memref<!tpu.dma_semaphore, #tpu.memory_space<semaphore_mem>>) src(%arg20 : memref<128x64xf32, #tpu.memory_space<vmem>>) dst(%dma_wait3A_261 : memref<128x64xf32, #tpu.memory_space<hbm>>)
      tpu.yield
    }) : () -> ()
    %dma_start3A_110 = arith.constant 0 : i32
    %dma_start3A_111 = tpu.memref_slice %arg16[%dma_start3A_110] : memref<512xi32, #tpu.memory_space<vmem>> -> memref<128xi32, #tpu.memory_space<vmem>>
    %dma_start3A_112 = arith.constant 0 : i32
    %dma_start3A_113 = arith.constant 0 : i32
    %dma_start3A_114 = tpu.memref_slice %arg5[%dma_start3A_112, %dma_start3A_113] : memref<32768x128xf32, #tpu.memory_space<hbm>> -> memref<32768x128xf32, #tpu.memory_space<hbm>>
    tpu.enqueue_indirect_dma source(%dma_start3A_114 : memref<32768x128xf32, #tpu.memory_space<hbm>>) target(%arg21 : memref<128x128xf32, #tpu.memory_space<vmem>>) offsets(%dma_start3A_111 : memref<128xi32, #tpu.memory_space<vmem>>) semaphore(%arg24 : memref<!tpu.dma_semaphore, #tpu.memory_space<semaphore_mem>>)
    %dma_wait3A_115 = arith.constant 0 : i32
    %dma_wait3A_116 = tpu.memref_slice %arg16[%dma_wait3A_115] : memref<512xi32, #tpu.memory_space<vmem>> -> memref<128xi32, #tpu.memory_space<vmem>>
    %dma_wait3A_117 = arith.constant 0 : i32
    %dma_wait3A_118 = arith.constant 0 : i32
    %dma_wait3A_119 = tpu.memref_slice %arg5[%dma_wait3A_117, %dma_wait3A_118] : memref<32768x128xf32, #tpu.memory_space<hbm>> -> memref<32768x128xf32, #tpu.memory_space<hbm>>
    tpu.wait_indirect_dma semaphore(%arg24 : memref<!tpu.dma_semaphore, #tpu.memory_space<semaphore_mem>>) src(%dma_wait3A_119 : memref<32768x128xf32, #tpu.memory_space<hbm>>) dst(%arg21 : memref<128x128xf32, #tpu.memory_space<vmem>>)
    %add3A_120 = arith.constant 0 : i32
    %add3A_121 = arith.addi %mul3A_2, %add3A_120 : i32
    "tpu.region"() ({
      %run_scoped3A = tpu.sem_alloc : memref<!tpu.dma_semaphore, #tpu.memory_space<semaphore_mem>>
      %dma_start3A_254 = arith.constant 0 : i32
      %dma_start3A_255 = tpu.memref_slice %arg10[%add3A_121, %dma_start3A_254] : memref<16384x128xf32, #tpu.memory_space<hbm>> -> memref<128x128xf32, #tpu.memory_space<hbm>>
      %dma_start3A_256 = arith.constant 0 : i32
      %dma_start3A_257 = tpu.memref_slice %arg10[%add3A_121, %dma_start3A_256] : memref<16384x128xf32, #tpu.memory_space<hbm>> -> memref<128x128xf32, #tpu.memory_space<hbm>>
      tpu.enqueue_dma source(%arg21 : memref<128x128xf32, #tpu.memory_space<vmem>>) target(%dma_start3A_257 : memref<128x128xf32, #tpu.memory_space<hbm>>) target_semaphore(%run_scoped3A : memref<!tpu.dma_semaphore, #tpu.memory_space<semaphore_mem>>)
      %dma_wait3A_258 = arith.constant 0 : i32
      %dma_wait3A_259 = tpu.memref_slice %arg10[%add3A_121, %dma_wait3A_258] : memref<16384x128xf32, #tpu.memory_space<hbm>> -> memref<128x128xf32, #tpu.memory_space<hbm>>
      %dma_wait3A_260 = arith.constant 0 : i32
      %dma_wait3A_261 = tpu.memref_slice %arg10[%add3A_121, %dma_wait3A_260] : memref<16384x128xf32, #tpu.memory_space<hbm>> -> memref<128x128xf32, #tpu.memory_space<hbm>>
      tpu.wait_dma2 semaphore(%run_scoped3A : memref<!tpu.dma_semaphore, #tpu.memory_space<semaphore_mem>>) src(%arg21 : memref<128x128xf32, #tpu.memory_space<vmem>>) dst(%dma_wait3A_261 : memref<128x128xf32, #tpu.memory_space<hbm>>)
      tpu.yield
    }) : () -> ()
    %dma_start3A_122 = arith.constant 128 : i32
    %dma_start3A_123 = tpu.memref_slice %arg16[%dma_start3A_122] : memref<512xi32, #tpu.memory_space<vmem>> -> memref<128xi32, #tpu.memory_space<vmem>>
    %dma_start3A_124 = arith.constant 0 : i32
    %dma_start3A_125 = arith.constant 0 : i32
    %dma_start3A_126 = tpu.memref_slice %arg5[%dma_start3A_124, %dma_start3A_125] : memref<32768x128xf32, #tpu.memory_space<hbm>> -> memref<32768x128xf32, #tpu.memory_space<hbm>>
    tpu.enqueue_indirect_dma source(%dma_start3A_126 : memref<32768x128xf32, #tpu.memory_space<hbm>>) target(%arg21 : memref<128x128xf32, #tpu.memory_space<vmem>>) offsets(%dma_start3A_123 : memref<128xi32, #tpu.memory_space<vmem>>) semaphore(%arg24 : memref<!tpu.dma_semaphore, #tpu.memory_space<semaphore_mem>>)
    %dma_wait3A_127 = arith.constant 128 : i32
    %dma_wait3A_128 = tpu.memref_slice %arg16[%dma_wait3A_127] : memref<512xi32, #tpu.memory_space<vmem>> -> memref<128xi32, #tpu.memory_space<vmem>>
    %dma_wait3A_129 = arith.constant 0 : i32
    %dma_wait3A_130 = arith.constant 0 : i32
    %dma_wait3A_131 = tpu.memref_slice %arg5[%dma_wait3A_129, %dma_wait3A_130] : memref<32768x128xf32, #tpu.memory_space<hbm>> -> memref<32768x128xf32, #tpu.memory_space<hbm>>
    tpu.wait_indirect_dma semaphore(%arg24 : memref<!tpu.dma_semaphore, #tpu.memory_space<semaphore_mem>>) src(%dma_wait3A_131 : memref<32768x128xf32, #tpu.memory_space<hbm>>) dst(%arg21 : memref<128x128xf32, #tpu.memory_space<vmem>>)
    %add3A_132 = arith.constant 128 : i32
    %add3A_133 = arith.addi %mul3A_2, %add3A_132 : i32
    "tpu.region"() ({
      %run_scoped3A = tpu.sem_alloc : memref<!tpu.dma_semaphore, #tpu.memory_space<semaphore_mem>>
      %dma_start3A_254 = arith.constant 0 : i32
      %dma_start3A_255 = tpu.memref_slice %arg10[%add3A_133, %dma_start3A_254] : memref<16384x128xf32, #tpu.memory_space<hbm>> -> memref<128x128xf32, #tpu.memory_space<hbm>>
      %dma_start3A_256 = arith.constant 0 : i32
      %dma_start3A_257 = tpu.memref_slice %arg10[%add3A_133, %dma_start3A_256] : memref<16384x128xf32, #tpu.memory_space<hbm>> -> memref<128x128xf32, #tpu.memory_space<hbm>>
      tpu.enqueue_dma source(%arg21 : memref<128x128xf32, #tpu.memory_space<vmem>>) target(%dma_start3A_257 : memref<128x128xf32, #tpu.memory_space<hbm>>) target_semaphore(%run_scoped3A : memref<!tpu.dma_semaphore, #tpu.memory_space<semaphore_mem>>)
      %dma_wait3A_258 = arith.constant 0 : i32
      %dma_wait3A_259 = tpu.memref_slice %arg10[%add3A_133, %dma_wait3A_258] : memref<16384x128xf32, #tpu.memory_space<hbm>> -> memref<128x128xf32, #tpu.memory_space<hbm>>
      %dma_wait3A_260 = arith.constant 0 : i32
      %dma_wait3A_261 = tpu.memref_slice %arg10[%add3A_133, %dma_wait3A_260] : memref<16384x128xf32, #tpu.memory_space<hbm>> -> memref<128x128xf32, #tpu.memory_space<hbm>>
      tpu.wait_dma2 semaphore(%run_scoped3A : memref<!tpu.dma_semaphore, #tpu.memory_space<semaphore_mem>>) src(%arg21 : memref<128x128xf32, #tpu.memory_space<vmem>>) dst(%dma_wait3A_261 : memref<128x128xf32, #tpu.memory_space<hbm>>)
      tpu.yield
    }) : () -> ()
    %dma_start3A_134 = arith.constant 256 : i32
    %dma_start3A_135 = tpu.memref_slice %arg16[%dma_start3A_134] : memref<512xi32, #tpu.memory_space<vmem>> -> memref<128xi32, #tpu.memory_space<vmem>>
    %dma_start3A_136 = arith.constant 0 : i32
    %dma_start3A_137 = arith.constant 0 : i32
    %dma_start3A_138 = tpu.memref_slice %arg5[%dma_start3A_136, %dma_start3A_137] : memref<32768x128xf32, #tpu.memory_space<hbm>> -> memref<32768x128xf32, #tpu.memory_space<hbm>>
    tpu.enqueue_indirect_dma source(%dma_start3A_138 : memref<32768x128xf32, #tpu.memory_space<hbm>>) target(%arg21 : memref<128x128xf32, #tpu.memory_space<vmem>>) offsets(%dma_start3A_135 : memref<128xi32, #tpu.memory_space<vmem>>) semaphore(%arg24 : memref<!tpu.dma_semaphore, #tpu.memory_space<semaphore_mem>>)
    %dma_wait3A_139 = arith.constant 256 : i32
    %dma_wait3A_140 = tpu.memref_slice %arg16[%dma_wait3A_139] : memref<512xi32, #tpu.memory_space<vmem>> -> memref<128xi32, #tpu.memory_space<vmem>>
    %dma_wait3A_141 = arith.constant 0 : i32
    %dma_wait3A_142 = arith.constant 0 : i32
    %dma_wait3A_143 = tpu.memref_slice %arg5[%dma_wait3A_141, %dma_wait3A_142] : memref<32768x128xf32, #tpu.memory_space<hbm>> -> memref<32768x128xf32, #tpu.memory_space<hbm>>
    tpu.wait_indirect_dma semaphore(%arg24 : memref<!tpu.dma_semaphore, #tpu.memory_space<semaphore_mem>>) src(%dma_wait3A_143 : memref<32768x128xf32, #tpu.memory_space<hbm>>) dst(%arg21 : memref<128x128xf32, #tpu.memory_space<vmem>>)
    %add3A_144 = arith.constant 256 : i32
    %add3A_145 = arith.addi %mul3A_2, %add3A_144 : i32
    "tpu.region"() ({
      %run_scoped3A = tpu.sem_alloc : memref<!tpu.dma_semaphore, #tpu.memory_space<semaphore_mem>>
      %dma_start3A_254 = arith.constant 0 : i32
      %dma_start3A_255 = tpu.memref_slice %arg10[%add3A_145, %dma_start3A_254] : memref<16384x128xf32, #tpu.memory_space<hbm>> -> memref<128x128xf32, #tpu.memory_space<hbm>>
      %dma_start3A_256 = arith.constant 0 : i32
      %dma_start3A_257 = tpu.memref_slice %arg10[%add3A_145, %dma_start3A_256] : memref<16384x128xf32, #tpu.memory_space<hbm>> -> memref<128x128xf32, #tpu.memory_space<hbm>>
      tpu.enqueue_dma source(%arg21 : memref<128x128xf32, #tpu.memory_space<vmem>>) target(%dma_start3A_257 : memref<128x128xf32, #tpu.memory_space<hbm>>) target_semaphore(%run_scoped3A : memref<!tpu.dma_semaphore, #tpu.memory_space<semaphore_mem>>)
      %dma_wait3A_258 = arith.constant 0 : i32
      %dma_wait3A_259 = tpu.memref_slice %arg10[%add3A_145, %dma_wait3A_258] : memref<16384x128xf32, #tpu.memory_space<hbm>> -> memref<128x128xf32, #tpu.memory_space<hbm>>
      %dma_wait3A_260 = arith.constant 0 : i32
      %dma_wait3A_261 = tpu.memref_slice %arg10[%add3A_145, %dma_wait3A_260] : memref<16384x128xf32, #tpu.memory_space<hbm>> -> memref<128x128xf32, #tpu.memory_space<hbm>>
      tpu.wait_dma2 semaphore(%run_scoped3A : memref<!tpu.dma_semaphore, #tpu.memory_space<semaphore_mem>>) src(%arg21 : memref<128x128xf32, #tpu.memory_space<vmem>>) dst(%dma_wait3A_261 : memref<128x128xf32, #tpu.memory_space<hbm>>)
      tpu.yield
    }) : () -> ()
    %dma_start3A_146 = arith.constant 384 : i32
    %dma_start3A_147 = tpu.memref_slice %arg16[%dma_start3A_146] : memref<512xi32, #tpu.memory_space<vmem>> -> memref<128xi32, #tpu.memory_space<vmem>>
    %dma_start3A_148 = arith.constant 0 : i32
    %dma_start3A_149 = arith.constant 0 : i32
    %dma_start3A_150 = tpu.memref_slice %arg5[%dma_start3A_148, %dma_start3A_149] : memref<32768x128xf32, #tpu.memory_space<hbm>> -> memref<32768x128xf32, #tpu.memory_space<hbm>>
    tpu.enqueue_indirect_dma source(%dma_start3A_150 : memref<32768x128xf32, #tpu.memory_space<hbm>>) target(%arg21 : memref<128x128xf32, #tpu.memory_space<vmem>>) offsets(%dma_start3A_147 : memref<128xi32, #tpu.memory_space<vmem>>) semaphore(%arg24 : memref<!tpu.dma_semaphore, #tpu.memory_space<semaphore_mem>>)
    %dma_wait3A_151 = arith.constant 384 : i32
    %dma_wait3A_152 = tpu.memref_slice %arg16[%dma_wait3A_151] : memref<512xi32, #tpu.memory_space<vmem>> -> memref<128xi32, #tpu.memory_space<vmem>>
    %dma_wait3A_153 = arith.constant 0 : i32
    %dma_wait3A_154 = arith.constant 0 : i32
    %dma_wait3A_155 = tpu.memref_slice %arg5[%dma_wait3A_153, %dma_wait3A_154] : memref<32768x128xf32, #tpu.memory_space<hbm>> -> memref<32768x128xf32, #tpu.memory_space<hbm>>
    tpu.wait_indirect_dma semaphore(%arg24 : memref<!tpu.dma_semaphore, #tpu.memory_space<semaphore_mem>>) src(%dma_wait3A_155 : memref<32768x128xf32, #tpu.memory_space<hbm>>) dst(%arg21 : memref<128x128xf32, #tpu.memory_space<vmem>>)
    %add3A_156 = arith.constant 384 : i32
    %add3A_157 = arith.addi %mul3A_2, %add3A_156 : i32
    "tpu.region"() ({
      %run_scoped3A = tpu.sem_alloc : memref<!tpu.dma_semaphore, #tpu.memory_space<semaphore_mem>>
      %dma_start3A_254 = arith.constant 0 : i32
      %dma_start3A_255 = tpu.memref_slice %arg10[%add3A_157, %dma_start3A_254] : memref<16384x128xf32, #tpu.memory_space<hbm>> -> memref<128x128xf32, #tpu.memory_space<hbm>>
      %dma_start3A_256 = arith.constant 0 : i32
      %dma_start3A_257 = tpu.memref_slice %arg10[%add3A_157, %dma_start3A_256] : memref<16384x128xf32, #tpu.memory_space<hbm>> -> memref<128x128xf32, #tpu.memory_space<hbm>>
      tpu.enqueue_dma source(%arg21 : memref<128x128xf32, #tpu.memory_space<vmem>>) target(%dma_start3A_257 : memref<128x128xf32, #tpu.memory_space<hbm>>) target_semaphore(%run_scoped3A : memref<!tpu.dma_semaphore, #tpu.memory_space<semaphore_mem>>)
      %dma_wait3A_258 = arith.constant 0 : i32
      %dma_wait3A_259 = tpu.memref_slice %arg10[%add3A_157, %dma_wait3A_258] : memref<16384x128xf32, #tpu.memory_space<hbm>> -> memref<128x128xf32, #tpu.memory_space<hbm>>
      %dma_wait3A_260 = arith.constant 0 : i32
      %dma_wait3A_261 = tpu.memref_slice %arg10[%add3A_157, %dma_wait3A_260] : memref<16384x128xf32, #tpu.memory_space<hbm>> -> memref<128x128xf32, #tpu.memory_space<hbm>>
      tpu.wait_dma2 semaphore(%run_scoped3A : memref<!tpu.dma_semaphore, #tpu.memory_space<semaphore_mem>>) src(%arg21 : memref<128x128xf32, #tpu.memory_space<vmem>>) dst(%dma_wait3A_261 : memref<128x128xf32, #tpu.memory_space<hbm>>)
      tpu.yield
    }) : () -> ()
    %dma_start3A_158 = arith.constant 0 : i32
    %dma_start3A_159 = tpu.memref_slice %arg17[%dma_start3A_158] : memref<512xi32, #tpu.memory_space<vmem>> -> memref<128xi32, #tpu.memory_space<vmem>>
    %dma_start3A_160 = arith.constant 0 : i32
    %dma_start3A_161 = arith.constant 0 : i32
    %dma_start3A_162 = tpu.memref_slice %arg6[%dma_start3A_160, %dma_start3A_161] : memref<4096x256xf32, #tpu.memory_space<hbm>> -> memref<4096x256xf32, #tpu.memory_space<hbm>>
    tpu.enqueue_indirect_dma source(%dma_start3A_162 : memref<4096x256xf32, #tpu.memory_space<hbm>>) target(%arg22 : memref<128x256xf32, #tpu.memory_space<vmem>>) offsets(%dma_start3A_159 : memref<128xi32, #tpu.memory_space<vmem>>) semaphore(%arg24 : memref<!tpu.dma_semaphore, #tpu.memory_space<semaphore_mem>>)
    %dma_wait3A_163 = arith.constant 0 : i32
    %dma_wait3A_164 = tpu.memref_slice %arg17[%dma_wait3A_163] : memref<512xi32, #tpu.memory_space<vmem>> -> memref<128xi32, #tpu.memory_space<vmem>>
    %dma_wait3A_165 = arith.constant 0 : i32
    %dma_wait3A_166 = arith.constant 0 : i32
    %dma_wait3A_167 = tpu.memref_slice %arg6[%dma_wait3A_165, %dma_wait3A_166] : memref<4096x256xf32, #tpu.memory_space<hbm>> -> memref<4096x256xf32, #tpu.memory_space<hbm>>
    tpu.wait_indirect_dma semaphore(%arg24 : memref<!tpu.dma_semaphore, #tpu.memory_space<semaphore_mem>>) src(%dma_wait3A_167 : memref<4096x256xf32, #tpu.memory_space<hbm>>) dst(%arg22 : memref<128x256xf32, #tpu.memory_space<vmem>>)
    %add3A_168 = arith.constant 0 : i32
    %add3A_169 = arith.addi %mul3A_2, %add3A_168 : i32
    "tpu.region"() ({
      %run_scoped3A = tpu.sem_alloc : memref<!tpu.dma_semaphore, #tpu.memory_space<semaphore_mem>>
      %dma_start3A_254 = arith.constant 0 : i32
      %dma_start3A_255 = tpu.memref_slice %arg11[%add3A_169, %dma_start3A_254] : memref<16384x256xf32, #tpu.memory_space<hbm>> -> memref<128x256xf32, #tpu.memory_space<hbm>>
      %dma_start3A_256 = arith.constant 0 : i32
      %dma_start3A_257 = tpu.memref_slice %arg11[%add3A_169, %dma_start3A_256] : memref<16384x256xf32, #tpu.memory_space<hbm>> -> memref<128x256xf32, #tpu.memory_space<hbm>>
      tpu.enqueue_dma source(%arg22 : memref<128x256xf32, #tpu.memory_space<vmem>>) target(%dma_start3A_257 : memref<128x256xf32, #tpu.memory_space<hbm>>) target_semaphore(%run_scoped3A : memref<!tpu.dma_semaphore, #tpu.memory_space<semaphore_mem>>)
      %dma_wait3A_258 = arith.constant 0 : i32
      %dma_wait3A_259 = tpu.memref_slice %arg11[%add3A_169, %dma_wait3A_258] : memref<16384x256xf32, #tpu.memory_space<hbm>> -> memref<128x256xf32, #tpu.memory_space<hbm>>
      %dma_wait3A_260 = arith.constant 0 : i32
      %dma_wait3A_261 = tpu.memref_slice %arg11[%add3A_169, %dma_wait3A_260] : memref<16384x256xf32, #tpu.memory_space<hbm>> -> memref<128x256xf32, #tpu.memory_space<hbm>>
      tpu.wait_dma2 semaphore(%run_scoped3A : memref<!tpu.dma_semaphore, #tpu.memory_space<semaphore_mem>>) src(%arg22 : memref<128x256xf32, #tpu.memory_space<vmem>>) dst(%dma_wait3A_261 : memref<128x256xf32, #tpu.memory_space<hbm>>)
      tpu.yield
    }) : () -> ()
    %dma_start3A_170 = arith.constant 128 : i32
    %dma_start3A_171 = tpu.memref_slice %arg17[%dma_start3A_170] : memref<512xi32, #tpu.memory_space<vmem>> -> memref<128xi32, #tpu.memory_space<vmem>>
    %dma_start3A_172 = arith.constant 0 : i32
    %dma_start3A_173 = arith.constant 0 : i32
    %dma_start3A_174 = tpu.memref_slice %arg6[%dma_start3A_172, %dma_start3A_173] : memref<4096x256xf32, #tpu.memory_space<hbm>> -> memref<4096x256xf32, #tpu.memory_space<hbm>>
    tpu.enqueue_indirect_dma source(%dma_start3A_174 : memref<4096x256xf32, #tpu.memory_space<hbm>>) target(%arg22 : memref<128x256xf32, #tpu.memory_space<vmem>>) offsets(%dma_start3A_171 : memref<128xi32, #tpu.memory_space<vmem>>) semaphore(%arg24 : memref<!tpu.dma_semaphore, #tpu.memory_space<semaphore_mem>>)
    %dma_wait3A_175 = arith.constant 128 : i32
    %dma_wait3A_176 = tpu.memref_slice %arg17[%dma_wait3A_175] : memref<512xi32, #tpu.memory_space<vmem>> -> memref<128xi32, #tpu.memory_space<vmem>>
    %dma_wait3A_177 = arith.constant 0 : i32
    %dma_wait3A_178 = arith.constant 0 : i32
    %dma_wait3A_179 = tpu.memref_slice %arg6[%dma_wait3A_177, %dma_wait3A_178] : memref<4096x256xf32, #tpu.memory_space<hbm>> -> memref<4096x256xf32, #tpu.memory_space<hbm>>
    tpu.wait_indirect_dma semaphore(%arg24 : memref<!tpu.dma_semaphore, #tpu.memory_space<semaphore_mem>>) src(%dma_wait3A_179 : memref<4096x256xf32, #tpu.memory_space<hbm>>) dst(%arg22 : memref<128x256xf32, #tpu.memory_space<vmem>>)
    %add3A_180 = arith.constant 128 : i32
    %add3A_181 = arith.addi %mul3A_2, %add3A_180 : i32
    "tpu.region"() ({
      %run_scoped3A = tpu.sem_alloc : memref<!tpu.dma_semaphore, #tpu.memory_space<semaphore_mem>>
      %dma_start3A_254 = arith.constant 0 : i32
      %dma_start3A_255 = tpu.memref_slice %arg11[%add3A_181, %dma_start3A_254] : memref<16384x256xf32, #tpu.memory_space<hbm>> -> memref<128x256xf32, #tpu.memory_space<hbm>>
      %dma_start3A_256 = arith.constant 0 : i32
      %dma_start3A_257 = tpu.memref_slice %arg11[%add3A_181, %dma_start3A_256] : memref<16384x256xf32, #tpu.memory_space<hbm>> -> memref<128x256xf32, #tpu.memory_space<hbm>>
      tpu.enqueue_dma source(%arg22 : memref<128x256xf32, #tpu.memory_space<vmem>>) target(%dma_start3A_257 : memref<128x256xf32, #tpu.memory_space<hbm>>) target_semaphore(%run_scoped3A : memref<!tpu.dma_semaphore, #tpu.memory_space<semaphore_mem>>)
      %dma_wait3A_258 = arith.constant 0 : i32
      %dma_wait3A_259 = tpu.memref_slice %arg11[%add3A_181, %dma_wait3A_258] : memref<16384x256xf32, #tpu.memory_space<hbm>> -> memref<128x256xf32, #tpu.memory_space<hbm>>
      %dma_wait3A_260 = arith.constant 0 : i32
      %dma_wait3A_261 = tpu.memref_slice %arg11[%add3A_181, %dma_wait3A_260] : memref<16384x256xf32, #tpu.memory_space<hbm>> -> memref<128x256xf32, #tpu.memory_space<hbm>>
      tpu.wait_dma2 semaphore(%run_scoped3A : memref<!tpu.dma_semaphore, #tpu.memory_space<semaphore_mem>>) src(%arg22 : memref<128x256xf32, #tpu.memory_space<vmem>>) dst(%dma_wait3A_261 : memref<128x256xf32, #tpu.memory_space<hbm>>)
      tpu.yield
    }) : () -> ()
    %dma_start3A_182 = arith.constant 256 : i32
    %dma_start3A_183 = tpu.memref_slice %arg17[%dma_start3A_182] : memref<512xi32, #tpu.memory_space<vmem>> -> memref<128xi32, #tpu.memory_space<vmem>>
    %dma_start3A_184 = arith.constant 0 : i32
    %dma_start3A_185 = arith.constant 0 : i32
    %dma_start3A_186 = tpu.memref_slice %arg6[%dma_start3A_184, %dma_start3A_185] : memref<4096x256xf32, #tpu.memory_space<hbm>> -> memref<4096x256xf32, #tpu.memory_space<hbm>>
    tpu.enqueue_indirect_dma source(%dma_start3A_186 : memref<4096x256xf32, #tpu.memory_space<hbm>>) target(%arg22 : memref<128x256xf32, #tpu.memory_space<vmem>>) offsets(%dma_start3A_183 : memref<128xi32, #tpu.memory_space<vmem>>) semaphore(%arg24 : memref<!tpu.dma_semaphore, #tpu.memory_space<semaphore_mem>>)
    %dma_wait3A_187 = arith.constant 256 : i32
    %dma_wait3A_188 = tpu.memref_slice %arg17[%dma_wait3A_187] : memref<512xi32, #tpu.memory_space<vmem>> -> memref<128xi32, #tpu.memory_space<vmem>>
    %dma_wait3A_189 = arith.constant 0 : i32
    %dma_wait3A_190 = arith.constant 0 : i32
    %dma_wait3A_191 = tpu.memref_slice %arg6[%dma_wait3A_189, %dma_wait3A_190] : memref<4096x256xf32, #tpu.memory_space<hbm>> -> memref<4096x256xf32, #tpu.memory_space<hbm>>
    tpu.wait_indirect_dma semaphore(%arg24 : memref<!tpu.dma_semaphore, #tpu.memory_space<semaphore_mem>>) src(%dma_wait3A_191 : memref<4096x256xf32, #tpu.memory_space<hbm>>) dst(%arg22 : memref<128x256xf32, #tpu.memory_space<vmem>>)
    %add3A_192 = arith.constant 256 : i32
    %add3A_193 = arith.addi %mul3A_2, %add3A_192 : i32
    "tpu.region"() ({
      %run_scoped3A = tpu.sem_alloc : memref<!tpu.dma_semaphore, #tpu.memory_space<semaphore_mem>>
      %dma_start3A_254 = arith.constant 0 : i32
      %dma_start3A_255 = tpu.memref_slice %arg11[%add3A_193, %dma_start3A_254] : memref<16384x256xf32, #tpu.memory_space<hbm>> -> memref<128x256xf32, #tpu.memory_space<hbm>>
      %dma_start3A_256 = arith.constant 0 : i32
      %dma_start3A_257 = tpu.memref_slice %arg11[%add3A_193, %dma_start3A_256] : memref<16384x256xf32, #tpu.memory_space<hbm>> -> memref<128x256xf32, #tpu.memory_space<hbm>>
      tpu.enqueue_dma source(%arg22 : memref<128x256xf32, #tpu.memory_space<vmem>>) target(%dma_start3A_257 : memref<128x256xf32, #tpu.memory_space<hbm>>) target_semaphore(%run_scoped3A : memref<!tpu.dma_semaphore, #tpu.memory_space<semaphore_mem>>)
      %dma_wait3A_258 = arith.constant 0 : i32
      %dma_wait3A_259 = tpu.memref_slice %arg11[%add3A_193, %dma_wait3A_258] : memref<16384x256xf32, #tpu.memory_space<hbm>> -> memref<128x256xf32, #tpu.memory_space<hbm>>
      %dma_wait3A_260 = arith.constant 0 : i32
      %dma_wait3A_261 = tpu.memref_slice %arg11[%add3A_193, %dma_wait3A_260] : memref<16384x256xf32, #tpu.memory_space<hbm>> -> memref<128x256xf32, #tpu.memory_space<hbm>>
      tpu.wait_dma2 semaphore(%run_scoped3A : memref<!tpu.dma_semaphore, #tpu.memory_space<semaphore_mem>>) src(%arg22 : memref<128x256xf32, #tpu.memory_space<vmem>>) dst(%dma_wait3A_261 : memref<128x256xf32, #tpu.memory_space<hbm>>)
      tpu.yield
    }) : () -> ()
    %dma_start3A_194 = arith.constant 384 : i32
    %dma_start3A_195 = tpu.memref_slice %arg17[%dma_start3A_194] : memref<512xi32, #tpu.memory_space<vmem>> -> memref<128xi32, #tpu.memory_space<vmem>>
    %dma_start3A_196 = arith.constant 0 : i32
    %dma_start3A_197 = arith.constant 0 : i32
    %dma_start3A_198 = tpu.memref_slice %arg6[%dma_start3A_196, %dma_start3A_197] : memref<4096x256xf32, #tpu.memory_space<hbm>> -> memref<4096x256xf32, #tpu.memory_space<hbm>>
    tpu.enqueue_indirect_dma source(%dma_start3A_198 : memref<4096x256xf32, #tpu.memory_space<hbm>>) target(%arg22 : memref<128x256xf32, #tpu.memory_space<vmem>>) offsets(%dma_start3A_195 : memref<128xi32, #tpu.memory_space<vmem>>) semaphore(%arg24 : memref<!tpu.dma_semaphore, #tpu.memory_space<semaphore_mem>>)
    %dma_wait3A_199 = arith.constant 384 : i32
    %dma_wait3A_200 = tpu.memref_slice %arg17[%dma_wait3A_199] : memref<512xi32, #tpu.memory_space<vmem>> -> memref<128xi32, #tpu.memory_space<vmem>>
    %dma_wait3A_201 = arith.constant 0 : i32
    %dma_wait3A_202 = arith.constant 0 : i32
    %dma_wait3A_203 = tpu.memref_slice %arg6[%dma_wait3A_201, %dma_wait3A_202] : memref<4096x256xf32, #tpu.memory_space<hbm>> -> memref<4096x256xf32, #tpu.memory_space<hbm>>
    tpu.wait_indirect_dma semaphore(%arg24 : memref<!tpu.dma_semaphore, #tpu.memory_space<semaphore_mem>>) src(%dma_wait3A_203 : memref<4096x256xf32, #tpu.memory_space<hbm>>) dst(%arg22 : memref<128x256xf32, #tpu.memory_space<vmem>>)
    %add3A_204 = arith.constant 384 : i32
    %add3A_205 = arith.addi %mul3A_2, %add3A_204 : i32
    "tpu.region"() ({
      %run_scoped3A = tpu.sem_alloc : memref<!tpu.dma_semaphore, #tpu.memory_space<semaphore_mem>>
      %dma_start3A_254 = arith.constant 0 : i32
      %dma_start3A_255 = tpu.memref_slice %arg11[%add3A_205, %dma_start3A_254] : memref<16384x256xf32, #tpu.memory_space<hbm>> -> memref<128x256xf32, #tpu.memory_space<hbm>>
      %dma_start3A_256 = arith.constant 0 : i32
      %dma_start3A_257 = tpu.memref_slice %arg11[%add3A_205, %dma_start3A_256] : memref<16384x256xf32, #tpu.memory_space<hbm>> -> memref<128x256xf32, #tpu.memory_space<hbm>>
      tpu.enqueue_dma source(%arg22 : memref<128x256xf32, #tpu.memory_space<vmem>>) target(%dma_start3A_257 : memref<128x256xf32, #tpu.memory_space<hbm>>) target_semaphore(%run_scoped3A : memref<!tpu.dma_semaphore, #tpu.memory_space<semaphore_mem>>)
      %dma_wait3A_258 = arith.constant 0 : i32
      %dma_wait3A_259 = tpu.memref_slice %arg11[%add3A_205, %dma_wait3A_258] : memref<16384x256xf32, #tpu.memory_space<hbm>> -> memref<128x256xf32, #tpu.memory_space<hbm>>
      %dma_wait3A_260 = arith.constant 0 : i32
      %dma_wait3A_261 = tpu.memref_slice %arg11[%add3A_205, %dma_wait3A_260] : memref<16384x256xf32, #tpu.memory_space<hbm>> -> memref<128x256xf32, #tpu.memory_space<hbm>>
      tpu.wait_dma2 semaphore(%run_scoped3A : memref<!tpu.dma_semaphore, #tpu.memory_space<semaphore_mem>>) src(%arg22 : memref<128x256xf32, #tpu.memory_space<vmem>>) dst(%dma_wait3A_261 : memref<128x256xf32, #tpu.memory_space<hbm>>)
      tpu.yield
    }) : () -> ()
    %dma_start3A_206 = arith.constant 0 : i32
    %dma_start3A_207 = tpu.memref_slice %arg18[%dma_start3A_206] : memref<512xi32, #tpu.memory_space<vmem>> -> memref<128xi32, #tpu.memory_space<vmem>>
    %dma_start3A_208 = arith.constant 0 : i32
    %dma_start3A_209 = arith.constant 0 : i32
    %dma_start3A_210 = tpu.memref_slice %arg7[%dma_start3A_208, %dma_start3A_209] : memref<262144x64xf32, #tpu.memory_space<hbm>> -> memref<262144x64xf32, #tpu.memory_space<hbm>>
    tpu.enqueue_indirect_dma source(%dma_start3A_210 : memref<262144x64xf32, #tpu.memory_space<hbm>>) target(%arg23 : memref<128x64xf32, #tpu.memory_space<vmem>>) offsets(%dma_start3A_207 : memref<128xi32, #tpu.memory_space<vmem>>) semaphore(%arg24 : memref<!tpu.dma_semaphore, #tpu.memory_space<semaphore_mem>>)
    %dma_wait3A_211 = arith.constant 0 : i32
    %dma_wait3A_212 = tpu.memref_slice %arg18[%dma_wait3A_211] : memref<512xi32, #tpu.memory_space<vmem>> -> memref<128xi32, #tpu.memory_space<vmem>>
    %dma_wait3A_213 = arith.constant 0 : i32
    %dma_wait3A_214 = arith.constant 0 : i32
    %dma_wait3A_215 = tpu.memref_slice %arg7[%dma_wait3A_213, %dma_wait3A_214] : memref<262144x64xf32, #tpu.memory_space<hbm>> -> memref<262144x64xf32, #tpu.memory_space<hbm>>
    tpu.wait_indirect_dma semaphore(%arg24 : memref<!tpu.dma_semaphore, #tpu.memory_space<semaphore_mem>>) src(%dma_wait3A_215 : memref<262144x64xf32, #tpu.memory_space<hbm>>) dst(%arg23 : memref<128x64xf32, #tpu.memory_space<vmem>>)
    %add3A_216 = arith.constant 0 : i32
    %add3A_217 = arith.addi %mul3A_2, %add3A_216 : i32
    "tpu.region"() ({
      %run_scoped3A = tpu.sem_alloc : memref<!tpu.dma_semaphore, #tpu.memory_space<semaphore_mem>>
      %dma_start3A_254 = arith.constant 0 : i32
      %dma_start3A_255 = tpu.memref_slice %arg12[%add3A_217, %dma_start3A_254] : memref<16384x64xf32, #tpu.memory_space<hbm>> -> memref<128x64xf32, #tpu.memory_space<hbm>>
      %dma_start3A_256 = arith.constant 0 : i32
      %dma_start3A_257 = tpu.memref_slice %arg12[%add3A_217, %dma_start3A_256] : memref<16384x64xf32, #tpu.memory_space<hbm>> -> memref<128x64xf32, #tpu.memory_space<hbm>>
      tpu.enqueue_dma source(%arg23 : memref<128x64xf32, #tpu.memory_space<vmem>>) target(%dma_start3A_257 : memref<128x64xf32, #tpu.memory_space<hbm>>) target_semaphore(%run_scoped3A : memref<!tpu.dma_semaphore, #tpu.memory_space<semaphore_mem>>)
      %dma_wait3A_258 = arith.constant 0 : i32
      %dma_wait3A_259 = tpu.memref_slice %arg12[%add3A_217, %dma_wait3A_258] : memref<16384x64xf32, #tpu.memory_space<hbm>> -> memref<128x64xf32, #tpu.memory_space<hbm>>
      %dma_wait3A_260 = arith.constant 0 : i32
      %dma_wait3A_261 = tpu.memref_slice %arg12[%add3A_217, %dma_wait3A_260] : memref<16384x64xf32, #tpu.memory_space<hbm>> -> memref<128x64xf32, #tpu.memory_space<hbm>>
      tpu.wait_dma2 semaphore(%run_scoped3A : memref<!tpu.dma_semaphore, #tpu.memory_space<semaphore_mem>>) src(%arg23 : memref<128x64xf32, #tpu.memory_space<vmem>>) dst(%dma_wait3A_261 : memref<128x64xf32, #tpu.memory_space<hbm>>)
      tpu.yield
    }) : () -> ()
    %dma_start3A_218 = arith.constant 128 : i32
    %dma_start3A_219 = tpu.memref_slice %arg18[%dma_start3A_218] : memref<512xi32, #tpu.memory_space<vmem>> -> memref<128xi32, #tpu.memory_space<vmem>>
    %dma_start3A_220 = arith.constant 0 : i32
    %dma_start3A_221 = arith.constant 0 : i32
    %dma_start3A_222 = tpu.memref_slice %arg7[%dma_start3A_220, %dma_start3A_221] : memref<262144x64xf32, #tpu.memory_space<hbm>> -> memref<262144x64xf32, #tpu.memory_space<hbm>>
    tpu.enqueue_indirect_dma source(%dma_start3A_222 : memref<262144x64xf32, #tpu.memory_space<hbm>>) target(%arg23 : memref<128x64xf32, #tpu.memory_space<vmem>>) offsets(%dma_start3A_219 : memref<128xi32, #tpu.memory_space<vmem>>) semaphore(%arg24 : memref<!tpu.dma_semaphore, #tpu.memory_space<semaphore_mem>>)
    %dma_wait3A_223 = arith.constant 128 : i32
    %dma_wait3A_224 = tpu.memref_slice %arg18[%dma_wait3A_223] : memref<512xi32, #tpu.memory_space<vmem>> -> memref<128xi32, #tpu.memory_space<vmem>>
    %dma_wait3A_225 = arith.constant 0 : i32
    %dma_wait3A_226 = arith.constant 0 : i32
    %dma_wait3A_227 = tpu.memref_slice %arg7[%dma_wait3A_225, %dma_wait3A_226] : memref<262144x64xf32, #tpu.memory_space<hbm>> -> memref<262144x64xf32, #tpu.memory_space<hbm>>
    tpu.wait_indirect_dma semaphore(%arg24 : memref<!tpu.dma_semaphore, #tpu.memory_space<semaphore_mem>>) src(%dma_wait3A_227 : memref<262144x64xf32, #tpu.memory_space<hbm>>) dst(%arg23 : memref<128x64xf32, #tpu.memory_space<vmem>>)
    %add3A_228 = arith.constant 128 : i32
    %add3A_229 = arith.addi %mul3A_2, %add3A_228 : i32
    "tpu.region"() ({
      %run_scoped3A = tpu.sem_alloc : memref<!tpu.dma_semaphore, #tpu.memory_space<semaphore_mem>>
      %dma_start3A_254 = arith.constant 0 : i32
      %dma_start3A_255 = tpu.memref_slice %arg12[%add3A_229, %dma_start3A_254] : memref<16384x64xf32, #tpu.memory_space<hbm>> -> memref<128x64xf32, #tpu.memory_space<hbm>>
      %dma_start3A_256 = arith.constant 0 : i32
      %dma_start3A_257 = tpu.memref_slice %arg12[%add3A_229, %dma_start3A_256] : memref<16384x64xf32, #tpu.memory_space<hbm>> -> memref<128x64xf32, #tpu.memory_space<hbm>>
      tpu.enqueue_dma source(%arg23 : memref<128x64xf32, #tpu.memory_space<vmem>>) target(%dma_start3A_257 : memref<128x64xf32, #tpu.memory_space<hbm>>) target_semaphore(%run_scoped3A : memref<!tpu.dma_semaphore, #tpu.memory_space<semaphore_mem>>)
      %dma_wait3A_258 = arith.constant 0 : i32
      %dma_wait3A_259 = tpu.memref_slice %arg12[%add3A_229, %dma_wait3A_258] : memref<16384x64xf32, #tpu.memory_space<hbm>> -> memref<128x64xf32, #tpu.memory_space<hbm>>
      %dma_wait3A_260 = arith.constant 0 : i32
      %dma_wait3A_261 = tpu.memref_slice %arg12[%add3A_229, %dma_wait3A_260] : memref<16384x64xf32, #tpu.memory_space<hbm>> -> memref<128x64xf32, #tpu.memory_space<hbm>>
      tpu.wait_dma2 semaphore(%run_scoped3A : memref<!tpu.dma_semaphore, #tpu.memory_space<semaphore_mem>>) src(%arg23 : memref<128x64xf32, #tpu.memory_space<vmem>>) dst(%dma_wait3A_261 : memref<128x64xf32, #tpu.memory_space<hbm>>)
      tpu.yield
    }) : () -> ()
    %dma_start3A_230 = arith.constant 256 : i32
    %dma_start3A_231 = tpu.memref_slice %arg18[%dma_start3A_230] : memref<512xi32, #tpu.memory_space<vmem>> -> memref<128xi32, #tpu.memory_space<vmem>>
    %dma_start3A_232 = arith.constant 0 : i32
    %dma_start3A_233 = arith.constant 0 : i32
    %dma_start3A_234 = tpu.memref_slice %arg7[%dma_start3A_232, %dma_start3A_233] : memref<262144x64xf32, #tpu.memory_space<hbm>> -> memref<262144x64xf32, #tpu.memory_space<hbm>>
    tpu.enqueue_indirect_dma source(%dma_start3A_234 : memref<262144x64xf32, #tpu.memory_space<hbm>>) target(%arg23 : memref<128x64xf32, #tpu.memory_space<vmem>>) offsets(%dma_start3A_231 : memref<128xi32, #tpu.memory_space<vmem>>) semaphore(%arg24 : memref<!tpu.dma_semaphore, #tpu.memory_space<semaphore_mem>>)
    %dma_wait3A_235 = arith.constant 256 : i32
    %dma_wait3A_236 = tpu.memref_slice %arg18[%dma_wait3A_235] : memref<512xi32, #tpu.memory_space<vmem>> -> memref<128xi32, #tpu.memory_space<vmem>>
    %dma_wait3A_237 = arith.constant 0 : i32
    %dma_wait3A_238 = arith.constant 0 : i32
    %dma_wait3A_239 = tpu.memref_slice %arg7[%dma_wait3A_237, %dma_wait3A_238] : memref<262144x64xf32, #tpu.memory_space<hbm>> -> memref<262144x64xf32, #tpu.memory_space<hbm>>
    tpu.wait_indirect_dma semaphore(%arg24 : memref<!tpu.dma_semaphore, #tpu.memory_space<semaphore_mem>>) src(%dma_wait3A_239 : memref<262144x64xf32, #tpu.memory_space<hbm>>) dst(%arg23 : memref<128x64xf32, #tpu.memory_space<vmem>>)
    %add3A_240 = arith.constant 256 : i32
    %add3A_241 = arith.addi %mul3A_2, %add3A_240 : i32
    "tpu.region"() ({
      %run_scoped3A = tpu.sem_alloc : memref<!tpu.dma_semaphore, #tpu.memory_space<semaphore_mem>>
      %dma_start3A_254 = arith.constant 0 : i32
      %dma_start3A_255 = tpu.memref_slice %arg12[%add3A_241, %dma_start3A_254] : memref<16384x64xf32, #tpu.memory_space<hbm>> -> memref<128x64xf32, #tpu.memory_space<hbm>>
      %dma_start3A_256 = arith.constant 0 : i32
      %dma_start3A_257 = tpu.memref_slice %arg12[%add3A_241, %dma_start3A_256] : memref<16384x64xf32, #tpu.memory_space<hbm>> -> memref<128x64xf32, #tpu.memory_space<hbm>>
      tpu.enqueue_dma source(%arg23 : memref<128x64xf32, #tpu.memory_space<vmem>>) target(%dma_start3A_257 : memref<128x64xf32, #tpu.memory_space<hbm>>) target_semaphore(%run_scoped3A : memref<!tpu.dma_semaphore, #tpu.memory_space<semaphore_mem>>)
      %dma_wait3A_258 = arith.constant 0 : i32
      %dma_wait3A_259 = tpu.memref_slice %arg12[%add3A_241, %dma_wait3A_258] : memref<16384x64xf32, #tpu.memory_space<hbm>> -> memref<128x64xf32, #tpu.memory_space<hbm>>
      %dma_wait3A_260 = arith.constant 0 : i32
      %dma_wait3A_261 = tpu.memref_slice %arg12[%add3A_241, %dma_wait3A_260] : memref<16384x64xf32, #tpu.memory_space<hbm>> -> memref<128x64xf32, #tpu.memory_space<hbm>>
      tpu.wait_dma2 semaphore(%run_scoped3A : memref<!tpu.dma_semaphore, #tpu.memory_space<semaphore_mem>>) src(%arg23 : memref<128x64xf32, #tpu.memory_space<vmem>>) dst(%dma_wait3A_261 : memref<128x64xf32, #tpu.memory_space<hbm>>)
      tpu.yield
    }) : () -> ()
    %dma_start3A_242 = arith.constant 384 : i32
    %dma_start3A_243 = tpu.memref_slice %arg18[%dma_start3A_242] : memref<512xi32, #tpu.memory_space<vmem>> -> memref<128xi32, #tpu.memory_space<vmem>>
    %dma_start3A_244 = arith.constant 0 : i32
    %dma_start3A_245 = arith.constant 0 : i32
    %dma_start3A_246 = tpu.memref_slice %arg7[%dma_start3A_244, %dma_start3A_245] : memref<262144x64xf32, #tpu.memory_space<hbm>> -> memref<262144x64xf32, #tpu.memory_space<hbm>>
    tpu.enqueue_indirect_dma source(%dma_start3A_246 : memref<262144x64xf32, #tpu.memory_space<hbm>>) target(%arg23 : memref<128x64xf32, #tpu.memory_space<vmem>>) offsets(%dma_start3A_243 : memref<128xi32, #tpu.memory_space<vmem>>) semaphore(%arg24 : memref<!tpu.dma_semaphore, #tpu.memory_space<semaphore_mem>>)
    %dma_wait3A_247 = arith.constant 384 : i32
    %dma_wait3A_248 = tpu.memref_slice %arg18[%dma_wait3A_247] : memref<512xi32, #tpu.memory_space<vmem>> -> memref<128xi32, #tpu.memory_space<vmem>>
    %dma_wait3A_249 = arith.constant 0 : i32
    %dma_wait3A_250 = arith.constant 0 : i32
    %dma_wait3A_251 = tpu.memref_slice %arg7[%dma_wait3A_249, %dma_wait3A_250] : memref<262144x64xf32, #tpu.memory_space<hbm>> -> memref<262144x64xf32, #tpu.memory_space<hbm>>
    tpu.wait_indirect_dma semaphore(%arg24 : memref<!tpu.dma_semaphore, #tpu.memory_space<semaphore_mem>>) src(%dma_wait3A_251 : memref<262144x64xf32, #tpu.memory_space<hbm>>) dst(%arg23 : memref<128x64xf32, #tpu.memory_space<vmem>>)
    %add3A_252 = arith.constant 384 : i32
    %add3A_253 = arith.addi %mul3A_2, %add3A_252 : i32
    "tpu.region"() ({
      %run_scoped3A = tpu.sem_alloc : memref<!tpu.dma_semaphore, #tpu.memory_space<semaphore_mem>>
      %dma_start3A_254 = arith.constant 0 : i32
      %dma_start3A_255 = tpu.memref_slice %arg12[%add3A_253, %dma_start3A_254] : memref<16384x64xf32, #tpu.memory_space<hbm>> -> memref<128x64xf32, #tpu.memory_space<hbm>>
      %dma_start3A_256 = arith.constant 0 : i32
      %dma_start3A_257 = tpu.memref_slice %arg12[%add3A_253, %dma_start3A_256] : memref<16384x64xf32, #tpu.memory_space<hbm>> -> memref<128x64xf32, #tpu.memory_space<hbm>>
      tpu.enqueue_dma source(%arg23 : memref<128x64xf32, #tpu.memory_space<vmem>>) target(%dma_start3A_257 : memref<128x64xf32, #tpu.memory_space<hbm>>) target_semaphore(%run_scoped3A : memref<!tpu.dma_semaphore, #tpu.memory_space<semaphore_mem>>)
      %dma_wait3A_258 = arith.constant 0 : i32
      %dma_wait3A_259 = tpu.memref_slice %arg12[%add3A_253, %dma_wait3A_258] : memref<16384x64xf32, #tpu.memory_space<hbm>> -> memref<128x64xf32, #tpu.memory_space<hbm>>
      %dma_wait3A_260 = arith.constant 0 : i32
      %dma_wait3A_261 = tpu.memref_slice %arg12[%add3A_253, %dma_wait3A_260] : memref<16384x64xf32, #tpu.memory_space<hbm>> -> memref<128x64xf32, #tpu.memory_space<hbm>>
      tpu.wait_dma2 semaphore(%run_scoped3A : memref<!tpu.dma_semaphore, #tpu.memory_space<semaphore_mem>>) src(%arg23 : memref<128x64xf32, #tpu.memory_space<vmem>>) dst(%dma_wait3A_261 : memref<128x64xf32, #tpu.memory_space<hbm>>)
      tpu.yield
    }) : () -> ()
    return
  }
}

module attributes {stable_mosaic.version = 14 : i64} {
  func.func @_matmul_body(%arg0: i32, %arg1: memref<1024x32xf32, #tpu.memory_space<vmem>>, %arg2: memref<1024x64xf32, #tpu.memory_space<vmem>>, %arg3: memref<1024x128xf32, #tpu.memory_space<vmem>>, %arg4: memref<1024x256xf32, #tpu.memory_space<vmem>>, %arg5: memref<1024x64xf32, #tpu.memory_space<vmem>>, %arg6: memref<32x4xf32, #tpu.memory_space<vmem>>, %arg7: memref<64x4xf32, #tpu.memory_space<vmem>>, %arg8: memref<128x4xf32, #tpu.memory_space<vmem>>, %arg9: memref<256x4xf32, #tpu.memory_space<vmem>>, %arg10: memref<64x4xf32, #tpu.memory_space<vmem>>, %arg11: memref<1x4xf32, #tpu.memory_space<vmem>>, %arg12: memref<1024x4xf32, #tpu.memory_space<vmem>>) attributes {dimension_semantics = [#tpu.dimension_semantics<arbitrary>], iteration_bounds = array<i64: 16>, scalar_prefetch = 0 : i64, scratch_operands = 0 : i64, tpu.core_type = #tpu.core_type<tc>, window_params = [{transform_indices = @transform_0, window_bounds = array<i64: 1024, 32>}, {transform_indices = @transform_1, window_bounds = array<i64: 1024, 64>}, {transform_indices = @transform_2, window_bounds = array<i64: 1024, 128>}, {transform_indices = @transform_3, window_bounds = array<i64: 1024, 256>}, {transform_indices = @transform_4, window_bounds = array<i64: 1024, 64>}, {pipeline_mode = #tpu.pipeline_mode<synchronous>, transform_indices = @transform_5, window_bounds = array<i64: 32, 4>}, {pipeline_mode = #tpu.pipeline_mode<synchronous>, transform_indices = @transform_6, window_bounds = array<i64: 64, 4>}, {pipeline_mode = #tpu.pipeline_mode<synchronous>, transform_indices = @transform_7, window_bounds = array<i64: 128, 4>}, {pipeline_mode = #tpu.pipeline_mode<synchronous>, transform_indices = @transform_8, window_bounds = array<i64: 256, 4>}, {pipeline_mode = #tpu.pipeline_mode<synchronous>, transform_indices = @transform_9, window_bounds = array<i64: 64, 4>}, {pipeline_mode = #tpu.pipeline_mode<synchronous>, transform_indices = @transform_10, window_bounds = array<i64: 1, 4>}, {transform_indices = @transform_11, window_bounds = array<i64: 1024, 4>}]} {
    %get3A = arith.constant 0 : index
    %get3A_0 = arith.constant 0 : index
    %get3A_1 = vector.load %arg1[%get3A, %get3A_0] : memref<1024x32xf32, #tpu.memory_space<vmem>>, vector<1024x32xf32>
    %get3A_2 = arith.constant 0 : index
    %get3A_3 = arith.constant 0 : index
    %get3A_4 = vector.load %arg6[%get3A_2, %get3A_3] : memref<32x4xf32, #tpu.memory_space<vmem>>, vector<32x4xf32>
    %dot_general3A = arith.constant dense<0.000000e+00> : vector<1024x4xf32>
    %dot_general3A_5 = tpu.matmul %get3A_1, %get3A_4, %dot_general3A {dimension_numbers = #tpu.dot_dimension_numbers<[1], [0], [0], [1], [0, 0, 1, 1], [], []>, transpose_lhs_hint = false} : vector<1024x32xf32>, vector<32x4xf32>, vector<1024x4xf32> -> vector<1024x4xf32>
    %get3A_6 = arith.constant 0 : index
    %get3A_7 = arith.constant 0 : index
    %get3A_8 = vector.load %arg2[%get3A_6, %get3A_7] : memref<1024x64xf32, #tpu.memory_space<vmem>>, vector<1024x64xf32>
    %get3A_9 = arith.constant 0 : index
    %get3A_10 = arith.constant 0 : index
    %get3A_11 = vector.load %arg7[%get3A_9, %get3A_10] : memref<64x4xf32, #tpu.memory_space<vmem>>, vector<64x4xf32>
    %dot_general3A_12 = arith.constant dense<0.000000e+00> : vector<1024x4xf32>
    %dot_general3A_13 = tpu.matmul %get3A_8, %get3A_11, %dot_general3A_12 {dimension_numbers = #tpu.dot_dimension_numbers<[1], [0], [0], [1], [0, 0, 1, 1], [], []>, transpose_lhs_hint = false} : vector<1024x64xf32>, vector<64x4xf32>, vector<1024x4xf32> -> vector<1024x4xf32>
    %add3A = arith.addf %dot_general3A_5, %dot_general3A_13 : vector<1024x4xf32>
    %get3A_14 = arith.constant 0 : index
    %get3A_15 = arith.constant 0 : index
    %get3A_16 = vector.load %arg3[%get3A_14, %get3A_15] : memref<1024x128xf32, #tpu.memory_space<vmem>>, vector<1024x128xf32>
    %get3A_17 = arith.constant 0 : index
    %get3A_18 = arith.constant 0 : index
    %get3A_19 = vector.load %arg8[%get3A_17, %get3A_18] : memref<128x4xf32, #tpu.memory_space<vmem>>, vector<128x4xf32>
    %dot_general3A_20 = arith.constant dense<0.000000e+00> : vector<1024x4xf32>
    %dot_general3A_21 = tpu.matmul %get3A_16, %get3A_19, %dot_general3A_20 {dimension_numbers = #tpu.dot_dimension_numbers<[1], [0], [0], [1], [0, 0, 1, 1], [], []>, transpose_lhs_hint = false} : vector<1024x128xf32>, vector<128x4xf32>, vector<1024x4xf32> -> vector<1024x4xf32>
    %add3A_22 = arith.addf %add3A, %dot_general3A_21 : vector<1024x4xf32>
    %get3A_23 = arith.constant 0 : index
    %get3A_24 = arith.constant 0 : index
    %get3A_25 = vector.load %arg4[%get3A_23, %get3A_24] : memref<1024x256xf32, #tpu.memory_space<vmem>>, vector<1024x256xf32>
    %get3A_26 = arith.constant 0 : index
    %get3A_27 = arith.constant 0 : index
    %get3A_28 = vector.load %arg9[%get3A_26, %get3A_27] : memref<256x4xf32, #tpu.memory_space<vmem>>, vector<256x4xf32>
    %dot_general3A_29 = arith.constant dense<0.000000e+00> : vector<1024x4xf32>
    %dot_general3A_30 = tpu.matmul %get3A_25, %get3A_28, %dot_general3A_29 {dimension_numbers = #tpu.dot_dimension_numbers<[1], [0], [0], [1], [0, 0, 1, 1], [], []>, transpose_lhs_hint = false} : vector<1024x256xf32>, vector<256x4xf32>, vector<1024x4xf32> -> vector<1024x4xf32>
    %add3A_31 = arith.addf %add3A_22, %dot_general3A_30 : vector<1024x4xf32>
    %get3A_32 = arith.constant 0 : index
    %get3A_33 = arith.constant 0 : index
    %get3A_34 = vector.load %arg5[%get3A_32, %get3A_33] : memref<1024x64xf32, #tpu.memory_space<vmem>>, vector<1024x64xf32>
    %get3A_35 = arith.constant 0 : index
    %get3A_36 = arith.constant 0 : index
    %get3A_37 = vector.load %arg10[%get3A_35, %get3A_36] : memref<64x4xf32, #tpu.memory_space<vmem>>, vector<64x4xf32>
    %dot_general3A_38 = arith.constant dense<0.000000e+00> : vector<1024x4xf32>
    %dot_general3A_39 = tpu.matmul %get3A_34, %get3A_37, %dot_general3A_38 {dimension_numbers = #tpu.dot_dimension_numbers<[1], [0], [0], [1], [0, 0, 1, 1], [], []>, transpose_lhs_hint = false} : vector<1024x64xf32>, vector<64x4xf32>, vector<1024x4xf32> -> vector<1024x4xf32>
    %add3A_40 = arith.addf %add3A_31, %dot_general3A_39 : vector<1024x4xf32>
    %get3A_41 = arith.constant 0 : index
    %get3A_42 = arith.constant 0 : index
    %get3A_43 = vector.load %arg11[%get3A_41, %get3A_42] : memref<1x4xf32, #tpu.memory_space<vmem>>, vector<1x4xf32>
    %add3A_44 = vector.broadcast %get3A_43 : vector<1x4xf32> to vector<1024x4xf32>
    %add3A_45 = arith.addf %add3A_40, %add3A_44 : vector<1024x4xf32>
    %swap3A = arith.constant 0 : index
    %swap3A_46 = arith.constant 0 : index
    %swap3A_47 = vector.load %arg12[%swap3A, %swap3A_46] : memref<1024x4xf32, #tpu.memory_space<vmem>>, vector<1024x4xf32>
    tpu.vector_store %arg12[%swap3A, %swap3A_46], %add3A_45 {strides = array<i32>} : memref<1024x4xf32, #tpu.memory_space<vmem>>, vector<1024x4xf32>,
    return
  }
  func.func @transform_0(%arg0: i32) -> (i32, i32) {
    %c0_i32 = arith.constant 0 : i32
    %c0_i32_0 = arith.constant 0 : i32
    return %arg0, %c0_i32 : i32, i32
  }
  func.func @transform_1(%arg0: i32) -> (i32, i32) {
    %c0_i32 = arith.constant 0 : i32
    %c0_i32_0 = arith.constant 0 : i32
    return %arg0, %c0_i32 : i32, i32
  }
  func.func @transform_2(%arg0: i32) -> (i32, i32) {
    %c0_i32 = arith.constant 0 : i32
    %c0_i32_0 = arith.constant 0 : i32
    return %arg0, %c0_i32 : i32, i32
  }
  func.func @transform_3(%arg0: i32) -> (i32, i32) {
    %c0_i32 = arith.constant 0 : i32
    %c0_i32_0 = arith.constant 0 : i32
    return %arg0, %c0_i32 : i32, i32
  }
  func.func @transform_4(%arg0: i32) -> (i32, i32) {
    %c0_i32 = arith.constant 0 : i32
    %c0_i32_0 = arith.constant 0 : i32
    return %arg0, %c0_i32 : i32, i32
  }
  func.func @transform_5(%arg0: i32) -> (i32, i32) {
    %c0_i32 = arith.constant 0 : i32
    %c0_i32_0 = arith.constant 0 : i32
    %c0_i32_1 = arith.constant 0 : i32
    return %c0_i32, %c0_i32_0 : i32, i32
  }
  func.func @transform_6(%arg0: i32) -> (i32, i32) {
    %c0_i32 = arith.constant 0 : i32
    %c0_i32_0 = arith.constant 0 : i32
    %c0_i32_1 = arith.constant 0 : i32
    return %c0_i32, %c0_i32_0 : i32, i32
  }
  func.func @transform_7(%arg0: i32) -> (i32, i32) {
    %c0_i32 = arith.constant 0 : i32
    %c0_i32_0 = arith.constant 0 : i32
    %c0_i32_1 = arith.constant 0 : i32
    return %c0_i32, %c0_i32_0 : i32, i32
  }
  func.func @transform_8(%arg0: i32) -> (i32, i32) {
    %c0_i32 = arith.constant 0 : i32
    %c0_i32_0 = arith.constant 0 : i32
    %c0_i32_1 = arith.constant 0 : i32
    return %c0_i32, %c0_i32_0 : i32, i32
  }
  func.func @transform_9(%arg0: i32) -> (i32, i32) {
    %c0_i32 = arith.constant 0 : i32
    %c0_i32_0 = arith.constant 0 : i32
    %c0_i32_1 = arith.constant 0 : i32
    return %c0_i32, %c0_i32_0 : i32, i32
  }
  func.func @transform_10(%arg0: i32) -> (i32, i32) {
    %c0_i32 = arith.constant 0 : i32
    %c0_i32_0 = arith.constant 0 : i32
    %c0_i32_1 = arith.constant 0 : i32
    return %c0_i32, %c0_i32_0 : i32, i32
  }
  func.func @transform_11(%arg0: i32) -> (i32, i32) {
    %c0_i32 = arith.constant 0 : i32
    %c0_i32_0 = arith.constant 0 : i32
    return %arg0, %c0_i32 : i32, i32
  }
}

</mosaic_0001>

<sc_bundles>
// kernel: kernel.4.cloned.1.call-start
scs
__scs_entry_jumppad:
0x0: {  	(pc) =	sbr.rel $0x88, $3  }
0x1: {  	(tag) =	ssettag $0x0;
	lr =	simm.s32 $0x1  }
0x2: {  	[smem:$0x3F99] =	sst lr;
	_ =	strace $0xD0000000  }
0x3: {  	_ = 	snop  }
0x4: {  	_ = 	snop  }
0x5: {  	_ = 	snop  }
0x6: {  	_ = 	snop  }
0x7: {  	_ = 	snop  }
__scs_overlays_trampoline_lowered:
0x8: {  	[smem:$0x3FA8] =	sst s0  }
0x9: {  	[smem:$0x3FA9] =	sst s1  }
0xa: {  	[smem:$0x3FAA] =	sst s2  }
0xb: {  	[smem:$0x3FAB] =	sst s3  }
0xc: {  	[smem:$0x3FAC] =	sst s4  }
0xd: {  	[smem:$0x3FAD] =	sst s5  }
0xe: {  	[smem:$0x3FAE] =	sst s6  }
0xf: {  	[smem:$0x3FAF] =	sst s7  }
0x10: {  	[smem:$0x3FB0] =	sst s8  }
0x11: {  	[smem:$0x3FB1] =	sst s9;
	s0 =	simm.s32 @!p0 $0x0  }
0x12: {  	s1 =	sld [smem:$0x3F97];
	s0 =	simm.s32 @p0 $0x1  }
0x13: {  	[smem:$0x3FB2] =	sst s0;
	s0 =	simm.s32 @!p1 $0x0  }
0x14: {  	s2 =	sld [smem:$0x3F96];
	s0 =	simm.s32 @p1 $0x1  }
0x15: {  	[smem:$0x3FB3] =	sst s0;
	s0 =	simm.s32 @!p2 $0x0  }
0x16: {  	s3 =	sld [smem:$0x3FDB];
	s0 =	simm.s32 @p2 $0x1  }
0x17: {  	s4 =	simm.s32 $0x1BF5;
	[smem:$0x3FB5] =	sst s0  }
0x18: {  	s0 =	sld [smem:$0x3F98];
	_ =	swait.ge [sflag:s4], $0x0  }
0x19: {  	s7 =	sld [smem:$0x3F99]  }
0x1a: {  	s8 =	sadd.s32 $0xFFFFE003, lr  }
0x1b: {  	s9 =	sadd.s32 $0xFFFFFEF7, lr;
	s5 =	simm.s32 $0xFFFFFFFF;
	p2 =	slt.u32 s8, $0xFFFFF086  }
0x1c: {  	p1 =	slt.u32 s9, $0xF7A;
	s5 =	simm.s32 @!p2 $0x0  }
0x1d: {  	s5 =	simm.s32 @p1 $0x1;
	p0 =	seq.s32 s7, s2  }
0x1e: {  	s7 =	smul.u32 @!p0 $0xF7A, s2;
	p2 =	seq.s32 @!p0 s5, $0x0  }
0x1f: {  	s9 =	smul.u32 $0xF7A, s1;
	s8 =	simm.s32 @!p0 $0x1BF5;
	p2 =	por !p2, p0  }
0x20: {  	[sflag:s8] =	ssyncset.s32 @!p0 $0xFFFFF086;
	s6 =	sadd.s32 @!p0 s3, s7;
	s7 =	simm.s32 @!p0 $0x108  }
0x21: {  	s3 =	sadd.s32 s3, s9;
	s6 =	sadd.s32 @!p0 $0x88, s6;
	s7 =	simm.s32 @p2 $0x1082  }
0x22: {  	[simem:s7], [sflag:s8] =	dma.local @!p0 [hbm:s6], $0xF7A  }
0x23: {  	s9 =	sor.u32 $0xD0000000, s2;
	s6 =	simm.s32 $0x108;
	_ =	swait.ge @!p0 [sflag:s8], $0x0  }
0x24: {  	s3 =	sadd.s32 $0x88, s3;
	s6 =	simm.s32 @!p1 $0x1082;
	[sflag:s4] =	ssyncset.s32 $0xFFFFF086  }
0x25: {  	[simem:s6], [sflag:s4] =	dma.local [hbm:s3], $0xF7A  }
0x26: {  	[smem:$0x3F99] =	sst s1;
	(tag) =	ssettag s2;
	_ =	strace s9  }
0x27: {  	s1 =	sld [smem:$0x3FA9]  }
0x28: {  	s2 =	sld [smem:$0x3FAA]  }
0x29: {  	s4 =	sld [smem:$0x3FAC]  }
0x2a: {  	p0 =	seq.s32 s5, $0x0;
	s5 =	sld [smem:$0x3FAD]  }
0x2b: {  	s6 =	sld [smem:$0x3FAE]  }
0x2c: {  	s7 =	sld [smem:$0x3FAF]  }
0x2d: {  	s3 =	simm.s32 $0x108;
	s8 =	sld [smem:$0x3FB0]  }
0x2e: {  	s3 =	simm.s32 @!p0 $0x1082;
	s9 =	sld [smem:$0x3FB1]  }
0x2f: {  	lr =	sadd.s32 s0, s3;
	s0 =	sld [smem:$0x3FA8]  }
0x30: {  	s3 =	sld [smem:$0x3FAB]  }
0x31: {  	[smem:$0x3FB4] =	sst s10  }
0x32: {  	s10 =	sld [smem:$0x3FB2];
	_ =	sdelay $0x3  }
0x33: {  	p0 =	seq.s32 s10, $0x1;
	s10 =	sld [smem:$0x3FB4];
	_ =	sdelay $0x3  }
0x34: {  	[smem:$0x3FB4] =	sst s10  }
0x35: {  	s10 =	sld [smem:$0x3FB3];
	_ =	sdelay $0x3  }
0x36: {  	p1 =	seq.s32 s10, $0x1;
	s10 =	sld [smem:$0x3FB4];
	_ =	sdelay $0x3  }
0x37: {  	[smem:$0x3FB4] =	sst s10  }
0x38: {  	s10 =	sld [smem:$0x3FB5]  }
0x39: {  	_ = 	snop;
	(pc) =	sbr.ind lr, $3  }
0x3a: {  	_ = 	snop  }
0x3b: {  	_ = 	snop  }
0x3c: {  	p2 =	seq.s32 s10, $0x1;
	s10 =	sld [smem:$0x3FB4]  }
0x3d: {  	_ =	shalt  }
0x3e: {  	_ =	shalt  }
0x3f: {  	_ =	shalt  }
0x40: {  	_ =	shalt  }
0x41: {  	_ =	shalt  }
0x42: {  	_ =	shalt  }
0x43: {  	_ =	shalt  }
0x44: {  	_ =	shalt  }
0x45: {  	_ =	shalt  }
0x46: {  	_ =	shalt  }
0x47: {  	_ =	shalt  }
0x48: {  	_ =	shalt  }
0x49: {  	_ =	shalt  }
0x4a: {  	_ =	shalt  }
0x4b: {  	_ =	shalt  }
0x4c: {  	_ =	shalt  }
0x4d: {  	_ =	shalt  }
0x4e: {  	_ =	shalt  }
0x4f: {  	_ =	shalt  }
0x50: {  	_ =	shalt  }
0x51: {  	_ =	shalt  }
0x52: {  	_ =	shalt  }
0x53: {  	_ =	shalt  }
0x54: {  	_ =	shalt  }
0x55: {  	_ =	shalt  }
0x56: {  	_ =	shalt  }
0x57: {  	_ =	shalt  }
0x58: {  	_ =	shalt  }
0x59: {  	_ =	shalt  }
0x5a: {  	_ =	shalt  }
0x5b: {  	_ =	shalt  }
0x5c: {  	_ =	shalt  }
0x5d: {  	_ =	shalt  }
0x5e: {  	_ =	shalt  }
0x5f: {  	_ =	shalt  }
0x60: {  	_ =	shalt  }
0x61: {  	_ =	shalt  }
0x62: {  	_ =	shalt  }
0x63: {  	_ =	shalt  }
0x64: {  	_ =	shalt  }
0x65: {  	_ =	shalt  }
0x66: {  	_ =	shalt  }
0x67: {  	_ =	shalt  }
0x68: {  	_ =	shalt  }
0x69: {  	_ =	shalt  }
0x6a: {  	_ =	shalt  }
0x6b: {  	_ =	shalt  }
0x6c: {  	_ =	shalt  }
0x6d: {  	_ =	shalt  }
0x6e: {  	_ =	shalt  }
0x6f: {  	_ =	shalt  }
0x70: {  	_ =	shalt  }
0x71: {  	_ =	shalt  }
0x72: {  	_ =	shalt  }
0x73: {  	_ =	shalt  }
0x74: {  	_ =	shalt  }
0x75: {  	_ =	shalt  }
0x76: {  	_ =	shalt  }
0x77: {  	_ =	shalt  }
0x78: {  	_ =	shalt  }
0x79: {  	_ =	shalt  }
0x7a: {  	_ =	shalt  }
0x7b: {  	_ =	shalt  }
0x7c: {  	_ =	shalt  }
0x7d: {  	_ =	shalt  }
0x7e: {  	_ =	shalt  }
0x7f: {  	_ =	shalt  }
0x80: {  	_ =	shalt  }
0x81: {  	_ =	shalt  }
0x82: {  	_ =	shalt  }
0x83: {  	_ =	shalt  }
0x84: {  	_ =	shalt  }
0x85: {  	_ =	shalt  }
0x86: {  	_ =	shalt  }
0x87: {  	_ =	shalt  }
.Lfunc_end0:
.L_simem_size_0:
called_computation_lowered:
.L_overlay_start_0:
0x88: {  	s2 =	sld [smem:$0x3FD9]  }
0x89: {  	s3 =	sld [smem:$0x3FFE];
	_ =	sdelay $0x1  }
0x8a: {  	s1 =	srdreg.scid  }
0x8b: {  	s0 =	sand.u32 $0x1, s1  }
0x8c: {  	s17 =	sshll.u32 s0, $0xA;
	s2 =	sadd.s32 s3, s2  }
0x8d: {  	s2 =	sadd.s32 s2, s17  }
0x8e: {  	[smem:$0x3FC0] =	sst s2  }
0x8f: {  	_ = 	snop  }
0x90: {  	s2 =	sld [smem:$0x3FC6]  }
0x91: {  	s18 =	sld [smem:$0x3FD0];
	(tm) =	ssettm $0x1  }
0x92: {  	s4 =	sld [smem:$0x3FFB];
	_ =	sdelay $0x3  }
0x93: {  	_ =	strace s4  }
0x94: {  	s4 =	sld [smem:$0x3FFC];
	_ =	sdelay $0x3  }
0x95: {  	_ =	strace s4  }
0x96: {  	s4 =	sld [smem:$0x3FFD];
	_ =	sdelay $0x3  }
0x97: {  	_ =	strace s4  }
0x98: {  	_ =	strace $0x8FFFFFFF  }
0x99: {  	s19 =	sld [smem:$0x3FDB];
	_ =	sdelay $0x1  }
0x9a: {  	s5 =	simm.s32 $_scs_section_size  }
0x9b: {  	s6 =	simm.s32 $_size__tile_overlayer_lowered;
	s7 =	simm.s32 $_tile_overlayer_lowered  }
0x9c: {  	s22 =	simm.s32 $0x1BFF;
	s21 =	sshll.u32 s7, $0x1;
	s4 =	sadd.s32 s5, s19  }
0x9d: {  	s8 =	simm.s32 $0x0;
	s20 =	sshll.u32 s6, $0x1;
	s6 =	sadd.s32 s21, s4  }
0x9e: {  	[timem:s8], [sflag:s22] =	dma.local [hbm:s6], s20  }
0x9f: {  	_ =	swait.ge [sflag:s22], s20  }
0xa0: {  	s5 =	ssub.s32 $0x0, s20;
	[sflag:s22] =	ssyncset.done $0x0  }
0xa1: {  	[sflag:s22] =	ssyncadd.s32 s5;
	_ =	sdelay $0x1  }
0xa2: {  	s23 =	simm.s32 $0x1B8B  }
0xa3: {  	_ =	swait.ge [sflag:s23], $0x1  }
0xa4: {  	[sflag:s23] =	ssyncset.done $0x0  }
0xa5: {  	s25 =	simm.s32 $0x1B8E;
	s24 =	sld [smem:$0x3FFE];
	[sflag:s23] =	ssyncadd.s32 $0xFFFFFFFF  }
0xa6: {  	s26 =	simm.s32 $execute0_lowered;
	[smem:$0x3FD2] =	sst s25  }
0xa7: {  	s6 =	sshll.u32 s26, $0x1;
	_ =	strace $0x80000046;
	[dreg:$0x1] =	wrdreg $0xFFFFFFFF  }
0xa8: {  	s28 =	simm.s32 $_size_execute0_lowered;
	s4 =	sadd.s32 s4, s6;
	[dreg:$0x0] =	wrdreg $0x0  }
0xa9: {  	s6 =	sshll.u32 s28, $0x1;
	[dreg:$0x2] =	wrdreg s4  }
0xaa: {  	[dreg:$0x3] =	wrdreg s6  }
0xab: {  	[dreg:$0x4] =	wrdreg $0xC0  }
0xac: {  	_ =	task [dreg:s8], $0x5FFFF  }
0xad: {  	[dreg:$0x1] =	wrdreg $0xFFFFFFFF  }
0xae: {  	[dreg:$0x0] =	wrdreg $0x60  }
0xaf: {  	[dreg:$0x2] =	wrdreg s18  }
0xb0: {  	[dreg:$0x3] =	wrdreg s24  }
0xb1: {  	[dreg:$0x4] =	wrdreg s2  }
0xb2: {  	[dreg:$0x5] =	wrdreg $0x9  }
0xb3: {  	_ =	task.clear_ibuf [dreg:s8], $0x6FFFF;
	_ =	strace $0x90000046  }
0xb4: {  	s29 =	simm.s32 $0x9;
	_ =	strace $0x80000048  }
0xb5: {  	_ =	swait.ge [sflag:s29], $0x1  }
0xb6: {  	[sflag:s29] =	ssyncadd.s32 $0xFFFFFFFF  }
0xb7: {  	_ =	strace $0x90000048  }
0xb8: {  	_ =	sfence  }
0xb9: {  	s30 =	sld [smem:$0x0];
	_ =	sdelay $0x2  }
0xba: {  	s31 =	sshll.u32 s1, $0xD;
	s1 =	sshrl.u32 s1, $0x2  }
0xbb: {  	s3 =	sand.u32 $0x4000, s31;
	s1 =	sadd.s32 s1, s30  }
0xbc: {  	s0 =	sor.u32 s3, s0;
	s1 =	sshll.u32 s1, $0x11  }
0xbd: {  	s0 =	sor.u32 s1, s0  }
0xbe: {  	s0 =	sadd.s32 $0x8F2B, s0  }
0xbf: {  	[sflag:s0] =	ssyncadd.remote.s32 $0x1  }
0xc0: {  	_ =	sfence.sel $0xFFFF  }
0xc1: {  	[dreg:$0x0] =	wrdreg $0xFFFFFFFF;
	(pc) =	sbr.abs _section_cstart, $3  }
0xc2: {  	[dreg:$0x1] =	wrdreg $0xFFFFFFFF  }
0xc3: {  	_ =	task.clear_ibuf [dreg:s8], $0x2FFFF;
	_ =	strace $0x9FFFFFFF  }
0xc4: {  	(tm) =	ssettm $0x7FFFFFFF  }
0xc5: {  	_ =	shalt  }
tec
execute0_lowered:
.L_overlay_start_1:
0x0: {  	(tag) =	ssettag $0x1  }
0x1: {  	s2 =	rddreg [dreg:$0x0]  }
0x2: {  	s1 =	rddreg [dreg:$0x1];
	s0 =	simm.s32 $0x0  }
0x3: {  	s4 =	srdreg.scid;
	[smem:$0x7FF] =	sst s0;
	s3 =	sadd.s32 $0x4E1C00, s1  }
0x4: {  	s7 =	stileid.u32;
	s5 =	sadd.s32 $0x4C1C00, s1;
	s6 =	sadd.s32 $0x4F1C00, s1  }
0x5: {  	s4 =	sand.u32 $0x1, s4;
	s7 =	sshll.u32 s7, $0xA;
	s9 =	sadd.s32 $0x421C00, s1  }
0x6: {  	s28 =	sadd.s32 $0x401C00, s1;
	s8 =	sshll.u32 s4, $0x9;
	s4 =	ssub.s32 $0x2, s4  }
0x7: {  	s29 =	sadd.s32 $0x1C00, s1;
	s7 =	sor.u32 s8, s7;
	s10 =	sshrl.u32 s4, $0x1  }
0x8: {  	s8 =	sadd.s32 $0x4A1C00, s1;
	s11 =	sshrl.u32 s7, $0x3;
	s4 =	ssub.s32 s4, s10  }
0x9: {  	s24 =	sshll.u32 s7, $0x2;
	s25 =	sor.u32 $0x80, s7;
	s26 =	sor.u32 $0x100, s7  }
0xa: {  	s14 =	sor.u32 $0x180, s7;
	s19 =	sshll.u32 s7, $0x4;
	s22 =	sshll.u32 s7, $0x5  }
0xb: {  	s2 =	sadd.s32 s2, s11;
	s10 =	sadd.s32 s3, s24;
	s12 =	sshll.u32 s25, $0x2  }
0xc: {  	s13 =	sshll.u32 s26, $0x2;
	s16 =	sshll.u32 s14, $0x2;
	s20 =	sshll.u32 s25, $0x4  }
0xd: {  	s21 =	sshll.u32 s26, $0x4;
	s23 =	sshll.u32 s25, $0x5;
	s24 =	sshll.u32 s26, $0x5  }
0xe: {  	s30 =	smax.u32 s4, $0x1;
	s4 =	simm.s32 $0x80;
	s11 =	simm.s32 $0x0  }
0xf: {  	[dreg:$0x4] =	wrdreg s10;
	s12 =	sadd.s32 s3, s12;
	s15 =	sadd.s32 s3, s13  }
0x10: {  	s3 =	sadd.s32 s3, s16;
	s13 =	sadd.s32 s6, s19;
	[dreg:$0x5] =	wrdreg s12  }
0x11: {  	s31 =	sadd.s32 $0x800, s2;
	s10 =	simm.s32 $0x10200;
	[dreg:$0x6] =	wrdreg s15  }
0x12: {  	[dreg:$0x7] =	wrdreg s3;
	s3 =	sshll.u32 s7, $0x3;
	s12 =	sshll.u32 s25, $0x3  }
0x13: {  	[dreg:$0xa] =	wrdreg s13;
	s13 =	sadd.s32 s6, s20;
	s15 =	sshll.u32 s14, $0x4  }
0x14: {  	s25 =	sshll.u32 s14, $0x5;
	s7 =	simm.s32 $0x2200;
	[dreg:$0xb] =	wrdreg s13  }
0x15: {  	s17 =	sadd.s32 s5, s3;
	s13 =	sadd.s32 s6, s21;
	s21 =	rddreg [dreg:$0x2]  }
0x16: {  	s18 =	sadd.s32 s5, s12;
	s6 =	sadd.s32 s6, s15;
	[dreg:$0x8] =	wrdreg s17  }
0x17: {  	s15 =	sadd.s32 s9, s24;
	s16 =	sadd.s32 s9, s25;
	[dreg:$0x9] =	wrdreg s18  }
0x18: {  	s20 =	sadd.s32 s8, s3;
	s25 =	sadd.s32 $0x2001C00, s1;
	[dreg:$0xc] =	wrdreg s13  }
0x19: {  	s3 =	simm.s32 $0x2;
	s18 =	sshll.u32 s26, $0x3;
	[dreg:$0xd] =	wrdreg s6  }
0x1a: {  	s6 =	sadd.s32 s9, s22;
	s26 =	sshll.u32 s14, $0x3;
	s22 =	sadd.s32 s8, s12  }
0x1b: {  	[dreg:$0xe] =	wrdreg s6;
	s6 =	sadd.s32 s9, s23;
	s17 =	sadd.s32 s5, s18  }
0x1c: {  	s19 =	sadd.s32 s5, s26;
	s23 =	sadd.s32 s8, s18;
	s24 =	sadd.s32 s8, s26  }
0x1d: {  	s26 =	sadd.s32 $0x201C00, s1;
	s18 =	sadd.s32 $0x1000, s2;
	s1 =	sadd.s32 $0x1800, s2  }
0x1e: {  	s5 =	simm.s32 $0x1200;
	s8 =	simm.s32 $0x4200;
	[dreg:$0xf] =	wrdreg s6  }
0x1f: {  	s9 =	simm.s32 $0x8200;
	s6 =	simm.s32 $0x1;
	_ =	strace $0x80000047  }
.LBB2_1:
0x20: {  	[tilespmem:s0], [sflag:$0x2] =	stream.linear.gather [hbm4b:s2+s0], $0x200, $0x38;
	[tilespmem:$0x12200] =	vst v63  }
0x21: {  	_ =	swait.ge [sflag:s3], $0x200  }
0x22: {  	[sflag:s3] =	ssyncset.done $0x0  }
0x23: {  	s12 =	simm.s32 $0x200;
	[sflag:s3] =	ssyncadd.s32 $0xFFFFFE00  }
0x24: {  	[tilespmem:s12], [sflag:$0x2] =	stream.linear.gather [hbm4b:s31+s0], $0x200, $0x38;
	[tilespmem:$0x12200] =	vst v63  }
0x25: {  	_ =	swait.ge [sflag:s3], $0x200  }
0x26: {  	[sflag:s3] =	ssyncset.done $0x0  }
0x27: {  	s13 =	simm.s32 $0x400;
	[sflag:s3] =	ssyncadd.s32 $0xFFFFFE00  }
0x28: {  	[tilespmem:s13], [sflag:$0x2] =	stream.linear.gather [hbm4b:s18+s0], $0x200, $0x38;
	[tilespmem:$0x12200] =	vst v63  }
0x29: {  	_ =	swait.ge [sflag:s3], $0x200  }
0x2a: {  	[sflag:s3] =	ssyncset.done $0x0  }
0x2b: {  	s14 =	simm.s32 $0x600;
	[sflag:s3] =	ssyncadd.s32 $0xFFFFFE00  }
0x2c: {  	[tilespmem:s14], [sflag:$0x2] =	stream.linear.gather [hbm4b:s1+s0], $0x200, $0x38;
	[tilespmem:$0x12200] =	vst v63  }
0x2d: {  	_ =	swait.ge [sflag:s3], $0x200  }
0x2e: {  	[sflag:s3] =	ssyncset.done $0x0  }
0x2f: {  	s12 =	simm.s32 $0x0;
	[sflag:s3] =	ssyncadd.s32 $0xFFFFFE00  }
0x30: {  	v0 =	vld [tilespmem:s12+$0x600]  }
0x31: {  	v1 =	vld [tilespmem:s12+$0x0]  }
0x32: {  	v2 =	vld [tilespmem:s12+$0x200]  }
0x33: {  	v3 =	vld [tilespmem:s12+$0x400];
	_ =	sdelay $0x2  }
0x34: {  	v1 =	vmul.f32 $1.280000000e+02, v1  }
0x35: {  	v2 =	vmul.f32 $1.280000000e+02, v2;
	v0 =	vmul.f32 $6.400000000e+01, v0  }
0x36: {  	v3 =	vmul.f32 $1.280000000e+02, v3;
	v1 =	vtrunc.f32 v1  }
0x37: {  	v2 =	vtrunc.f32 v2;
	v1 =	vcvt.f32.s32 v1  }
0x38: {  	v4 =	vcvt.f32.s32 v2  }
0x39: {  	v0 =	vtrunc.f32 v0;
	v2 =	vtrunc.f32 v3;
	vm0 =	vgt.s32 v1, $0x0  }
0x3a: {  	v3 =	vcvt.f32.s32 v2;
	v1 =	vnsel vm0, $0x0, v1;
	vm0 =	vgt.s32 v4, $0x0  }
0x3b: {  	v2 =	vmin.u32 v1, $0x7F;
	v1 =	vnsel vm0, $0x0, v4;
	v4 =	vcvt.f32.s32 v0  }
0x3c: {  	vm0 =	vgt.s32 v3, $0x0;
	v1 =	vmin.u32 v1, $0x7F;
	v0 =	vshll.u32 v2, $0x1  }
0x3d: {  	v3 =	vnsel vm0, $0x0, v3;
	v6 =	vand.u32 $0xF0, v0;
	v7 =	vshrl.u32 v1, $0x3  }
0x3e: {  	s13 =	simm.s32 $0x10;
	v5 =	vshll.u32 v2, $0x5;
	v0 =	vmin.u32 v3, $0x7F;
	v6 =	vor.u32 v7, v6  }
0x3f: {  	s14 =	simm.s32 $0x80;
	v3 =	vld [tilespmem:s13+$0x600];
	vm0 =	vgt.s32 v4, $0x0;
	v7 =	vshrl.u32 v0, $0x3;
	v6 =	vshll.u32 v6, $0x4  }
.LBB2_2:
0x40: {  	p0 =	sne.s32 s14, $0x7C0;
	v8 =	vld [tilespmem:s13+$0x0];
	v4 =	vnsel vm0, $0x0, v4;
	v9 =	vshll.u32 v2, $0x3;
	v6 =	vor.u32 v7, v6  }
0x41: {  	v5 =	vand.u32 $0xFC0, v5;
	v7 =	vld [tilespmem:s13+$0x200];
	v4 =	vmin.u32 v4, $0x3F;
	v10 =	vshll.u32 v6, $0x6;
	[tilespmem:s12+$0xE00] =	vst v6  }
0x42: {  	v11 =	vshrl.u32 v1, $0x1;
	v9 =	vand.u32 $0x3E0, v9;
	v6 =	vld [tilespmem:s13+$0x400];
	v4 =	vor.u32 v4, v10  }
0x43: {  	v2 =	vshll.u32 v2, $0xE;
	v5 =	vor.u32 v11, v5;
	v10 =	vshrl.u32 v1, $0x2;
	[tilespmem:s12+$0x1000] =	vst v4  }
0x44: {  	v1 =	vshll.u32 v1, $0x7;
	v4 =	vshll.u32 v5, $0x6;
	v5 =	vor.u32 v10, v9  }
0x45: {  	v1 =	vor.u32 v2, v1;
	v2 =	vshll.u32 v5, $0x5;
	v8 =	vmul.f32 $1.280000000e+02, v8  }
0x46: {  	v3 =	vmul.f32 $6.400000000e+01, v3;
	v5 =	vmul.f32 $1.280000000e+02, v7;
	v7 =	vshrl.u32 v0, $0x1  }
0x47: {  	v9 =	vshrl.u32 v0, $0x2;
	v8 =	vtrunc.f32 v8;
	v6 =	vmul.f32 $1.280000000e+02, v6  }
0x48: {  	v4 =	vor.u32 v7, v4;
	v8 =	vcvt.f32.s32 v8;
	v5 =	vtrunc.f32 v5  }
0x49: {  	v0 =	vor.u32 v0, v1;
	v1 =	vor.u32 v9, v2;
	v5 =	vcvt.f32.s32 v5;
	[tilespmem:s12+$0xA00] =	vst v4  }
0x4a: {  	v3 =	vtrunc.f32 v3;
	v2 =	vtrunc.f32 v6;
	vm0 =	vgt.s32 v8, $0x0;
	[tilespmem:s12+$0xC00] =	vst v1  }
0x4b: {  	v6 =	vcvt.f32.s32 v2;
	v1 =	vnsel vm0, $0x0, v8;
	vm0 =	vgt.s32 v5, $0x0;
	[tilespmem:s12+$0x800] =	vst v0;
	s12 =	smov.u32 s13  }
.Ltmp0:
0x4c: {  	v4 =	vcvt.f32.s32 v3;
	v2 =	vmin.u32 v1, $0x7F;
	v0 =	vnsel vm0, $0x0, v5;
	(pc) =	sbr.rel @p0 .LBB2_2-.Ltmp0, $4  }
0x4d: {  	vm0 =	vgt.s32 v6, $0x0;
	v1 =	vmin.u32 v0, $0x7F;
	v0 =	vshll.u32 v2, $0x1  }
0x4e: {  	v3 =	vnsel vm0, $0x0, v6;
	v6 =	vand.u32 $0xF0, v0;
	v7 =	vshrl.u32 v1, $0x3  }
0x4f: {  	s13 =	sshra.s32 s14, $0x2;
	v5 =	vshll.u32 v2, $0x5;
	v0 =	vmin.u32 v3, $0x7F;
	v6 =	vor.u32 v7, v6  }
0x50: {  	s14 =	sadd.s32 $0x40, s14;
	vm0 =	vgt.s32 v4, $0x0;
	v7 =	vshrl.u32 v0, $0x3;
	v3 =	vld [tilespmem:s13+$0x600];
	v6 =	vshll.u32 v6, $0x4  }
0x51: {  	v8 =	vld [tilespmem:s13+$0x0];
	v4 =	vnsel vm0, $0x0, v4;
	v6 =	vor.u32 v7, v6;
	v9 =	vshll.u32 v2, $0x3  }
0x52: {  	v39 =	vld [tilespmem:s13+$0x200];
	v5 =	vand.u32 $0xFC0, v5;
	v11 =	vshrl.u32 v1, $0x1;
	v40 =	vshll.u32 v2, $0xE  }
0x53: {  	v41 =	vshrl.u32 v1, $0x2;
	v42 =	vshll.u32 v1, $0x7;
	v46 =	vshrl.u32 v0, $0x1;
	[tilespmem:s12+$0xE00] =	vst v6  }
0x54: {  	v47 =	vshrl.u32 v0, $0x2;
	v4 =	vmin.u32 v4, $0x3F;
	v6 =	vshll.u32 v6, $0x6;
	v10 =	vld [tilespmem:s13+$0x400]  }
0x55: {  	v9 =	vand.u32 $0x3E0, v9;
	v5 =	vor.u32 v11, v5;
	v1 =	vor.u32 v40, v42  }
0x56: {  	v4 =	vor.u32 v4, v6;
	v3 =	vmul.f32 $6.400000000e+01, v3;
	v8 =	vmul.f32 $1.280000000e+02, v8  }
0x57: {  	v5 =	vshll.u32 v5, $0x6;
	v6 =	vor.u32 v41, v9;
	v43 =	vmul.f32 $1.280000000e+02, v39  }
0x58: {  	v48 =	vor.u32 v0, v1;
	v3 =	vtrunc.f32 v3;
	v44 =	vtrunc.f32 v8  }
0x59: {  	v6 =	vshll.u32 v6, $0x5;
	v45 =	vmul.f32 $1.280000000e+02, v10;
	v2 =	vtrunc.f32 v43  }
0x5a: {  	v5 =	vor.u32 v46, v5;
	v3 =	vcvt.f32.s32 v3;
	v7 =	vcvt.f32.s32 v44  }
0x5b: {  	v6 =	vor.u32 v47, v6;
	v2 =	vcvt.f32.s32 v2;
	v49 =	vtrunc.f32 v45  }
0x5c: {  	vm15 =	vgt.s32 v3, $0x0;
	vm12 =	vgt.s32 v7, $0x0;
	v1 =	vcvt.f32.s32 v49  }
0x5d: {  	vm13 =	vgt.s32 v2, $0x0;
	v3 =	vnsel vm15, $0x0, v3;
	v7 =	vnsel vm12, $0x0, v7  }
0x5e: {  	v2 =	vnsel vm13, $0x0, v2;
	v3 =	vmin.u32 v3, $0x3F;
	v7 =	vmin.u32 v7, $0x7F  }
0x5f: {  	vm14 =	vgt.s32 v1, $0x0;
	v2 =	vmin.u32 v2, $0x7F;
	v50 =	vshll.u32 v7, $0x1  }
0x60: {  	v1 =	vnsel vm14, $0x0, v1;
	v51 =	vshrl.u32 v2, $0x3;
	v52 =	vshll.u32 v7, $0x5  }
0x61: {  	v54 =	vshll.u32 v7, $0x3;
	v56 =	vshrl.u32 v2, $0x1;
	v57 =	vshll.u32 v7, $0xE  }
0x62: {  	[tilespmem:s12+$0x1000] =	vst v4;
	v59 =	vshrl.u32 v2, $0x2;
	v2 =	vshll.u32 v2, $0x7;
	v8 =	vand.u32 $0xF0, v50  }
0x63: {  	[tilespmem:s12+$0x800] =	vst v48;
	v1 =	vmin.u32 v1, $0x7F;
	v55 =	vand.u32 $0xFC0, v52;
	v4 =	vand.u32 $0x3E0, v54  }
0x64: {  	[tilespmem:s12+$0xA00] =	vst v5;
	v2 =	vor.u32 v57, v2;
	v8 =	vor.u32 v51, v8;
	v53 =	vshrl.u32 v1, $0x3  }
0x65: {  	[tilespmem:s12+$0xC00] =	vst v6;
	v58 =	vor.u32 v56, v55;
	v63 =	vor.u32 v1, v2;
	v8 =	vshll.u32 v8, $0x4  }
0x66: {  	v60 =	vshrl.u32 v1, $0x1;
	v0 =	vshll.u32 v58, $0x6;
	[tilespmem:s13+$0x800] =	vst v63;
	v8 =	vor.u32 v53, v8  }
0x67: {  	v4 =	vor.u32 v59, v4;
	v0 =	vor.u32 v60, v0;
	v9 =	vshll.u32 v8, $0x6;
	[tilespmem:s13+$0xE00] =	vst v8  }
0x68: {  	v62 =	vshrl.u32 v1, $0x2;
	v61 =	vshll.u32 v4, $0x5;
	[tilespmem:s13+$0xA00] =	vst v0;
	v3 =	vor.u32 v3, v9  }
0x69: {  	[tilespmem:s13+$0x1000] =	vst v3;
	v3 =	vor.u32 v62, v61  }
0x6a: {  	[tilespmem:s13+$0xC00] =	vst v3;
	s13 =	simm.s32 $0x800  }
0x6b: {  	[tilespmem:s5], [sflag:$0x1] =	stream.indirect.gather [hbm4b:s25+s4], $0x20, s13, s4, $0xb8;
	[tilespmem:$0x12200] =	vst v63  }
0x6c: {  	_ =	swait.ge [sflag:s6], $0x1000  }
0x6d: {  	[sflag:s6] =	ssyncset.done $0x0  }
0x6e: {  	s14 =	rddreg [dreg:$0x4];
	[sflag:s6] =	ssyncadd.s32 $0xFFFFF000  }
0x6f: {  	[hbm4b:s14+s0] =	stream.linear.scatter [tilespmem:s5], [sflag:$0x2], $0x1000, $0x38;
	[tilespmem:$0x12200] =	vst v63  }
0x70: {  	_ =	swait.ge [sflag:s3], $0x1000  }
0x71: {  	[sflag:s3] =	ssyncset.done $0x0  }
0x72: {  	s13 =	simm.s32 $0x880;
	[sflag:s3] =	ssyncadd.s32 $0xFFFFF000  }
0x73: {  	[tilespmem:s5], [sflag:$0x1] =	stream.indirect.gather [hbm4b:s25+s4], $0x20, s13, s4, $0xb8;
	[tilespmem:$0x12200] =	vst v63  }
0x74: {  	_ =	swait.ge [sflag:s6], $0x1000  }
0x75: {  	[sflag:s6] =	ssyncset.done $0x0  }
0x76: {  	s14 =	rddreg [dreg:$0x5];
	[sflag:s6] =	ssyncadd.s32 $0xFFFFF000  }
0x77: {  	[hbm4b:s14+s0] =	stream.linear.scatter [tilespmem:s5], [sflag:$0x2], $0x1000, $0x38;
	[tilespmem:$0x12200] =	vst v63  }
0x78: {  	_ =	swait.ge [sflag:s3], $0x1000  }
0x79: {  	[sflag:s3] =	ssyncset.done $0x0  }
0x7a: {  	s13 =	simm.s32 $0x900;
	[sflag:s3] =	ssyncadd.s32 $0xFFFFF000  }
0x7b: {  	[tilespmem:s5], [sflag:$0x1] =	stream.indirect.gather [hbm4b:s25+s4], $0x20, s13, s4, $0xb8;
	[tilespmem:$0x12200] =	vst v63  }
0x7c: {  	_ =	swait.ge [sflag:s6], $0x1000  }
0x7d: {  	[sflag:s6] =	ssyncset.done $0x0  }
0x7e: {  	s14 =	rddreg [dreg:$0x6];
	[sflag:s6] =	ssyncadd.s32 $0xFFFFF000  }
0x7f: {  	[hbm4b:s14+s0] =	stream.linear.scatter [tilespmem:s5], [sflag:$0x2], $0x1000, $0x38;
	[tilespmem:$0x12200] =	vst v63  }
0x80: {  	_ =	swait.ge [sflag:s3], $0x1000  }
0x81: {  	[sflag:s3] =	ssyncset.done $0x0  }
0x82: {  	s13 =	simm.s32 $0x980;
	[sflag:s3] =	ssyncadd.s32 $0xFFFFF000  }
0x83: {  	[tilespmem:s5], [sflag:$0x1] =	stream.indirect.gather [hbm4b:s25+s4], $0x20, s13, s4, $0xb8;
	[tilespmem:$0x12200] =	vst v63  }
0x84: {  	_ =	swait.ge [sflag:s6], $0x1000  }
0x85: {  	[sflag:s6] =	ssyncset.done $0x0  }
0x86: {  	s14 =	rddreg [dreg:$0x7];
	[sflag:s6] =	ssyncadd.s32 $0xFFFFF000  }
0x87: {  	[hbm4b:s14+s0] =	stream.linear.scatter [tilespmem:s5], [sflag:$0x2], $0x1000, $0x38;
	[tilespmem:$0x12200] =	vst v63  }
0x88: {  	_ =	swait.ge [sflag:s3], $0x1000  }
0x89: {  	[sflag:s3] =	ssyncset.done $0x0  }
0x8a: {  	s13 =	simm.s32 $0xA00;
	[sflag:s3] =	ssyncadd.s32 $0xFFFFF000  }
0x8b: {  	[tilespmem:s7], [sflag:$0x1] =	stream.indirect.gather [hbm4b:s26+s4], $0x40, s13, s4, $0xb8;
	[tilespmem:$0x12200] =	vst v63  }
0x8c: {  	_ =	swait.ge [sflag:s6], $0x2000  }
0x8d: {  	[sflag:s6] =	ssyncset.done $0x0  }
0x8e: {  	s14 =	rddreg [dreg:$0x8];
	[sflag:s6] =	ssyncadd.s32 $0xFFFFE000  }
0x8f: {  	[hbm4b:s14+s0] =	stream.linear.scatter [tilespmem:s7], [sflag:$0x2], $0x2000, $0x38;
	[tilespmem:$0x12200] =	vst v63  }
0x90: {  	_ =	swait.ge [sflag:s3], $0x2000  }
0x91: {  	[sflag:s3] =	ssyncset.done $0x0  }
0x92: {  	s13 =	simm.s32 $0xA80;
	[sflag:s3] =	ssyncadd.s32 $0xFFFFE000  }
0x93: {  	[tilespmem:s7], [sflag:$0x1] =	stream.indirect.gather [hbm4b:s26+s4], $0x40, s13, s4, $0xb8;
	[tilespmem:$0x12200] =	vst v63  }
0x94: {  	_ =	swait.ge [sflag:s6], $0x2000  }
0x95: {  	[sflag:s6] =	ssyncset.done $0x0  }
0x96: {  	s14 =	rddreg [dreg:$0x9];
	[sflag:s6] =	ssyncadd.s32 $0xFFFFE000  }
0x97: {  	[hbm4b:s14+s0] =	stream.linear.scatter [tilespmem:s7], [sflag:$0x2], $0x2000, $0x38;
	[tilespmem:$0x12200] =	vst v63  }
0x98: {  	_ =	swait.ge [sflag:s3], $0x2000  }
0x99: {  	[sflag:s3] =	ssyncset.done $0x0  }
0x9a: {  	s13 =	simm.s32 $0xB00;
	[sflag:s3] =	ssyncadd.s32 $0xFFFFE000  }
0x9b: {  	[tilespmem:s7], [sflag:$0x1] =	stream.indirect.gather [hbm4b:s26+s4], $0x40, s13, s4, $0xb8;
	[tilespmem:$0x12200] =	vst v63  }
0x9c: {  	_ =	swait.ge [sflag:s6], $0x2000  }
0x9d: {  	[sflag:s6] =	ssyncset.done $0x0  }
0x9e: {  	[sflag:s6] =	ssyncadd.s32 $0xFFFFE000  }
0x9f: {  	[hbm4b:s17+s0] =	stream.linear.scatter [tilespmem:s7], [sflag:$0x2], $0x2000, $0x38;
	[tilespmem:$0x12200] =	vst v63  }
0xa0: {  	_ =	swait.ge [sflag:s3], $0x2000  }
0xa1: {  	[sflag:s3] =	ssyncset.done $0x0  }
0xa2: {  	s14 =	simm.s32 $0xB80;
	[sflag:s3] =	ssyncadd.s32 $0xFFFFE000  }
0xa3: {  	[tilespmem:s7], [sflag:$0x1] =	stream.indirect.gather [hbm4b:s26+s4], $0x40, s14, s4, $0xb8;
	[tilespmem:$0x12200] =	vst v63  }
0xa4: {  	_ =	swait.ge [sflag:s6], $0x2000  }
0xa5: {  	[sflag:s6] =	ssyncset.done $0x0  }
0xa6: {  	[sflag:s6] =	ssyncadd.s32 $0xFFFFE000  }
0xa7: {  	[hbm4b:s19+s0] =	stream.linear.scatter [tilespmem:s7], [sflag:$0x2], $0x2000, $0x38;
	[tilespmem:$0x12200] =	vst v63  }
0xa8: {  	_ =	swait.ge [sflag:s3], $0x2000  }
0xa9: {  	[sflag:s3] =	ssyncset.done $0x0  }
0xaa: {  	s13 =	simm.s32 $0xC00;
	[sflag:s3] =	ssyncadd.s32 $0xFFFFE000  }
0xab: {  	[tilespmem:s8], [sflag:$0x1] =	stream.indirect.gather [hbm4b:s21+s4], $0x80, s13, s4, $0xb8;
	[tilespmem:$0x12200] =	vst v63  }
0xac: {  	_ =	swait.ge [sflag:s6], $0x4000  }
0xad: {  	[sflag:s6] =	ssyncset.done $0x0  }
0xae: {  	s14 =	rddreg [dreg:$0xa];
	[sflag:s6] =	ssyncadd.s32 $0xFFFFC000  }
0xaf: {  	[hbm4b:s14+s0] =	stream.linear.scatter [tilespmem:s8], [sflag:$0x2], $0x4000, $0x38;
	[tilespmem:$0x12200] =	vst v63  }
0xb0: {  	_ =	swait.ge [sflag:s3], $0x4000  }
0xb1: {  	[sflag:s3] =	ssyncset.done $0x0  }
0xb2: {  	s13 =	simm.s32 $0xC80;
	[sflag:s3] =	ssyncadd.s32 $0xFFFFC000  }
0xb3: {  	[tilespmem:s8], [sflag:$0x1] =	stream.indirect.gather [hbm4b:s21+s4], $0x80, s13, s4, $0xb8;
	[tilespmem:$0x12200] =	vst v63  }
0xb4: {  	_ =	swait.ge [sflag:s6], $0x4000  }
0xb5: {  	[sflag:s6] =	ssyncset.done $0x0  }
0xb6: {  	s14 =	rddreg [dreg:$0xb];
	[sflag:s6] =	ssyncadd.s32 $0xFFFFC000  }
0xb7: {  	[hbm4b:s14+s0] =	stream.linear.scatter [tilespmem:s8], [sflag:$0x2], $0x4000, $0x38;
	[tilespmem:$0x12200] =	vst v63  }
0xb8: {  	_ =	swait.ge [sflag:s3], $0x4000  }
0xb9: {  	[sflag:s3] =	ssyncset.done $0x0  }
0xba: {  	s13 =	simm.s32 $0xD00;
	[sflag:s3] =	ssyncadd.s32 $0xFFFFC000  }
0xbb: {  	[tilespmem:s8], [sflag:$0x1] =	stream.indirect.gather [hbm4b:s21+s4], $0x80, s13, s4, $0xb8;
	[tilespmem:$0x12200] =	vst v63  }
0xbc: {  	_ =	swait.ge [sflag:s6], $0x4000  }
0xbd: {  	[sflag:s6] =	ssyncset.done $0x0  }
0xbe: {  	s14 =	rddreg [dreg:$0xc];
	[sflag:s6] =	ssyncadd.s32 $0xFFFFC000  }
0xbf: {  	[hbm4b:s14+s0] =	stream.linear.scatter [tilespmem:s8], [sflag:$0x2], $0x4000, $0x38;
	[tilespmem:$0x12200] =	vst v63  }
0xc0: {  	_ =	swait.ge [sflag:s3], $0x4000  }
0xc1: {  	[sflag:s3] =	ssyncset.done $0x0  }
0xc2: {  	s13 =	simm.s32 $0xD80;
	[sflag:s3] =	ssyncadd.s32 $0xFFFFC000  }
0xc3: {  	[tilespmem:s8], [sflag:$0x1] =	stream.indirect.gather [hbm4b:s21+s4], $0x80, s13, s4, $0xb8;
	[tilespmem:$0x12200] =	vst v63  }
0xc4: {  	_ =	swait.ge [sflag:s6], $0x4000  }
0xc5: {  	[sflag:s6] =	ssyncset.done $0x0  }
0xc6: {  	s14 =	rddreg [dreg:$0xd];
	[sflag:s6] =	ssyncadd.s32 $0xFFFFC000  }
0xc7: {  	[hbm4b:s14+s0] =	stream.linear.scatter [tilespmem:s8], [sflag:$0x2], $0x4000, $0x38;
	[tilespmem:$0x12200] =	vst v63  }
0xc8: {  	_ =	swait.ge [sflag:s3], $0x4000  }
0xc9: {  	[sflag:s3] =	ssyncset.done $0x0  }
0xca: {  	s13 =	simm.s32 $0xE00;
	[sflag:s3] =	ssyncadd.s32 $0xFFFFC000  }
0xcb: {  	[tilespmem:s9], [sflag:$0x1] =	stream.indirect.gather [hbm4b:s28+s4], $0x100, s13, s4, $0xb8;
	[tilespmem:$0x12200] =	vst v63  }
0xcc: {  	_ =	swait.ge [sflag:s6], $0x8000  }
0xcd: {  	[sflag:s6] =	ssyncset.done $0x0  }
0xce: {  	s14 =	rddreg [dreg:$0xe];
	[sflag:s6] =	ssyncadd.s32 $0xFFFF8000  }
0xcf: {  	[hbm4b:s14+s0] =	stream.linear.scatter [tilespmem:s9], [sflag:$0x2], $0x8000, $0x38;
	[tilespmem:$0x12200] =	vst v63  }
0xd0: {  	_ =	swait.ge [sflag:s3], $0x8000  }
0xd1: {  	[sflag:s3] =	ssyncset.done $0x0  }
0xd2: {  	s13 =	simm.s32 $0xE80;
	[sflag:s3] =	ssyncadd.s32 $0xFFFF8000  }
0xd3: {  	[tilespmem:s9], [sflag:$0x1] =	stream.indirect.gather [hbm4b:s28+s4], $0x100, s13, s4, $0xb8;
	[tilespmem:$0x12200] =	vst v63  }
0xd4: {  	_ =	swait.ge [sflag:s6], $0x8000  }
0xd5: {  	[sflag:s6] =	ssyncset.done $0x0  }
0xd6: {  	s14 =	rddreg [dreg:$0xf];
	[sflag:s6] =	ssyncadd.s32 $0xFFFF8000  }
0xd7: {  	[hbm4b:s14+s0] =	stream.linear.scatter [tilespmem:s9], [sflag:$0x2], $0x8000, $0x38;
	[tilespmem:$0x12200] =	vst v63  }
0xd8: {  	_ =	swait.ge [sflag:s3], $0x8000  }
0xd9: {  	[sflag:s3] =	ssyncset.done $0x0  }
0xda: {  	s13 =	simm.s32 $0xF00;
	[sflag:s3] =	ssyncadd.s32 $0xFFFF8000  }
0xdb: {  	[tilespmem:s9], [sflag:$0x1] =	stream.indirect.gather [hbm4b:s28+s4], $0x100, s13, s4, $0xb8;
	[tilespmem:$0x12200] =	vst v63  }
0xdc: {  	_ =	swait.ge [sflag:s6], $0x8000  }
0xdd: {  	[sflag:s6] =	ssyncset.done $0x0  }
0xde: {  	[sflag:s6] =	ssyncadd.s32 $0xFFFF8000  }
0xdf: {  	[hbm4b:s15+s0] =	stream.linear.scatter [tilespmem:s9], [sflag:$0x2], $0x8000, $0x38;
	[tilespmem:$0x12200] =	vst v63  }
0xe0: {  	_ =	swait.ge [sflag:s3], $0x8000  }
0xe1: {  	[sflag:s3] =	ssyncset.done $0x0  }
0xe2: {  	s14 =	simm.s32 $0xF80;
	[sflag:s3] =	ssyncadd.s32 $0xFFFF8000  }
0xe3: {  	[tilespmem:s9], [sflag:$0x1] =	stream.indirect.gather [hbm4b:s28+s4], $0x100, s14, s4, $0xb8;
	[tilespmem:$0x12200] =	vst v63  }
0xe4: {  	_ =	swait.ge [sflag:s6], $0x8000  }
0xe5: {  	[sflag:s6] =	ssyncset.done $0x0  }
0xe6: {  	[sflag:s6] =	ssyncadd.s32 $0xFFFF8000  }
0xe7: {  	[hbm4b:s16+s0] =	stream.linear.scatter [tilespmem:s9], [sflag:$0x2], $0x8000, $0x38;
	[tilespmem:$0x12200] =	vst v63  }
0xe8: {  	_ =	swait.ge [sflag:s3], $0x8000  }
0xe9: {  	[sflag:s3] =	ssyncset.done $0x0  }
0xea: {  	s13 =	simm.s32 $0x1000;
	[sflag:s3] =	ssyncadd.s32 $0xFFFF8000  }
0xeb: {  	[tilespmem:s10], [sflag:$0x1] =	stream.indirect.gather [hbm4b:s29+s4], $0x40, s13, s4, $0xb8;
	[tilespmem:$0x12200] =	vst v63  }
0xec: {  	_ =	swait.ge [sflag:s6], $0x2000  }
0xed: {  	[sflag:s6] =	ssyncset.done $0x0  }
0xee: {  	[sflag:s6] =	ssyncadd.s32 $0xFFFFE000  }
0xef: {  	[hbm4b:s20+s0] =	stream.linear.scatter [tilespmem:s10], [sflag:$0x2], $0x2000, $0x38;
	[tilespmem:$0x12200] =	vst v63  }
0xf0: {  	_ =	swait.ge [sflag:s3], $0x2000  }
0xf1: {  	[sflag:s3] =	ssyncset.done $0x0  }
0xf2: {  	s14 =	simm.s32 $0x1080;
	[sflag:s3] =	ssyncadd.s32 $0xFFFFE000  }
0xf3: {  	[tilespmem:s10], [sflag:$0x1] =	stream.indirect.gather [hbm4b:s29+s4], $0x40, s14, s4, $0xb8;
	[tilespmem:$0x12200] =	vst v63  }
0xf4: {  	_ =	swait.ge [sflag:s6], $0x2000  }
0xf5: {  	[sflag:s6] =	ssyncset.done $0x0  }
0xf6: {  	[sflag:s6] =	ssyncadd.s32 $0xFFFFE000  }
0xf7: {  	[hbm4b:s22+s0] =	stream.linear.scatter [tilespmem:s10], [sflag:$0x2], $0x2000, $0x38;
	[tilespmem:$0x12200] =	vst v63  }
0xf8: {  	_ =	swait.ge [sflag:s3], $0x2000  }
0xf9: {  	[sflag:s3] =	ssyncset.done $0x0  }
0xfa: {  	s13 =	simm.s32 $0x1100;
	[sflag:s3] =	ssyncadd.s32 $0xFFFFE000  }
0xfb: {  	[tilespmem:s10], [sflag:$0x1] =	stream.indirect.gather [hbm4b:s29+s4], $0x40, s13, s4, $0xb8;
	[tilespmem:$0x12200] =	vst v63  }
0xfc: {  	_ =	swait.ge [sflag:s6], $0x2000  }
0xfd: {  	[sflag:s6] =	ssyncset.done $0x0  }
0xfe: {  	[sflag:s6] =	ssyncadd.s32 $0xFFFFE000  }
0xff: {  	[hbm4b:s23+s0] =	stream.linear.scatter [tilespmem:s10], [sflag:$0x2], $0x2000, $0x38;
	[tilespmem:$0x12200] =	vst v63  }
0x100: {  	_ =	swait.ge [sflag:s3], $0x2000  }
0x101: {  	[sflag:s3] =	ssyncset.done $0x0  }
0x102: {  	s14 =	simm.s32 $0x1180;
	[sflag:s3] =	ssyncadd.s32 $0xFFFFE000  }
0x103: {  	[tilespmem:s10], [sflag:$0x1] =	stream.indirect.gather [hbm4b:s29+s4], $0x40, s14, s4, $0xb8;
	[tilespmem:$0x12200] =	vst v63  }
0x104: {  	s11 =	sadd.s32 $0x1, s11;
	_ =	swait.ge [sflag:s6], $0x2000  }
0x105: {  	p0 =	sne.s32 s11, s30;
	[sflag:s6] =	ssyncset.done $0x0  }
.Ltmp1:
0x106: {  	[sflag:s6] =	ssyncadd.s32 $0xFFFFE000;
	(pc) =	sbr.rel @p0 .LBB2_1-.Ltmp1, $4  }
0x107: {  	[hbm4b:s24+s0] =	stream.linear.scatter [tilespmem:s10], [sflag:$0x2], $0x2000, $0x38;
	[tilespmem:$0x12200] =	vst v63  }
0x108: {  	_ =	swait.ge [sflag:s3], $0x2000  }
0x109: {  	[sflag:s3] =	ssyncset.done $0x0  }
0x10a: {  	[sflag:s3] =	ssyncadd.s32 $0xFFFFE000  }
0x10b: {  	_ =	sfence.sel $0x180000  }
0x10c: {  	[bflag:$0x0] =	sbarrier.arrive $0xFFFF  }
0x10d: {  	_ =	strace $0x90000047  }
0x10e: {  	s0 =	stileid.u32;
	[bflag:$0x2] =	sbarrier.arrive $0xFFFF  }
0x10f: {  	p0 =	sne.s32 s0, $0x0;
	s0 =	rddreg [dreg:$0x3]  }
0x110: {  	s0 =	sadd.s32 @!p0 $0x100000, s0  }
0x111: {  	[sflag:s0] =	ssyncadd.tile.s32 @!p0 $0x1;
	_ =	shalt  }
.Lfunc_end2:
_tile_overlayer_lowered:
.L_overlay_start_2:
0x112: {  	(tag) =	ssettag $0x2  }
0x113: {  	s0 =	rddreg [dreg:$0x0];
	s2 =	stileid.u32  }
0x114: {  	s1 =	rddreg [dreg:$0x1];
	p0 =	sne.s32 s2, $0x0  }
0x115: {  	s3 =	rddreg [dreg:$0x2];
	[bflag:$0x3] =	sbarrier.arrive $0xFFFF;
	s2 =	simm.s32 @!p0 $0x1C02  }
0x116: {  	[timem:s3], [sflag:s2] =	dma.local @!p0 [hbm:s0], s1  }
0x117: {  	s0 =	simm.s32 @!p0 $0x2  }
0x118: {  	_ =	swait.ge @!p0 [sflag:s0], s1  }
0x119: {  	s1 =	ssub.s32 @!p0 $0x0, s1;
	[sflag:s0] =	ssyncset.done @!p0 $0x0  }
0x11a: {  	[sflag:s0] =	ssyncadd.s32 @!p0 s1  }
0x11b: {  	[bflag:$0x3] =	sbarrier.arrive $0xFFFF  }
0x11c: {  	_ =	shalt  }

</sc_bundles>
